<compile_context>
chip_gen: v7x
topology: tpu7x:2x2x1
jax: 0.10.2.dev20260603
libtpu: 0.0.44.dev20260713+nightly
codegen_flags: <defaults>
</compile_context>

<pallas_src>
import functools

import jax
import jax.numpy as jnp
import numpy as np
from jax import lax
from jax.experimental import pallas as pl
from jax.experimental.pallas import tpu as pltpu
from jax.experimental.pallas import tpu_sc as plsc

N_NODES = 10000
E_EDGES = 320000
N_VIEWS = 2
D_F = 128
N_HEADS = 4
D_HEAD = D_F // N_HEADS

_NC = 2
_NS = 16
_CHUNK = 128
_NCHUNK = -(-E_EDGES // _CHUNK)
_NCHUNK = -(-_NCHUNK // _NS) * _NS
_EPAD = _NCHUNK * _CHUNK
_CPS = _NCHUNK // _NS
_NDUMMY = 128
_ACC_ROWS = N_NODES + _NDUMMY


def _spmm_sc(feat2, comb, zeros):
    rps = (N_NODES // _NS) // 8 * 8
    rem_base = _NS * rps
    rem = N_NODES - rem_base

    mesh = plsc.VectorSubcoreMesh(core_axis_name="c", subcore_axis_name="s")

    @functools.partial(
        pl.kernel,
        out_type=jax.ShapeDtypeStruct((_NC * N_NODES, D_F), jnp.float32),
        mesh=mesh,
        scratch_types=[
            pltpu.VMEM((2 * _CHUNK,), jnp.int32),
            pltpu.VMEM((_CHUNK,), jnp.int32),
            pltpu.VMEM((_CHUNK,), jnp.int32),
            pltpu.VMEM((_CHUNK, D_F), jnp.float32),
            pltpu.VMEM_SHARED((_ACC_ROWS, D_F), jnp.float32),
            pltpu.SemaphoreType.DMA,
        ],
    )
    def k(feat_hbm, comb_hbm, zero_hbm, out_hbm,
          cidx, sidx0, didx0, rows0, acc, semg):
        c = lax.axis_index("c")
        s = lax.axis_index("s")
        coff = c * (feat2.shape[0] // _NC)
        cbase = s * _CPS * 2 * _CHUNK

        pltpu.sync_copy(zero_hbm.at[pl.ds(s * rps, rps)],
                        acc.at[pl.ds(s * rps, rps)])
        @pl.when(s == _NS - 1)
        def _zero_rem():
            pltpu.sync_copy(zero_hbm.at[pl.ds(rem_base, rem)],
                            acc.at[pl.ds(rem_base, rem)])
        plsc.subcore_barrier()

        def body(i, carry):
            pltpu.sync_copy(
                comb_hbm.at[pl.ds(cbase + i * 2 * _CHUNK, 2 * _CHUNK)], cidx)
            for kk in range(_CHUNK // 16):
                sl = pl.ds(kk * 16, 16)
                sidx0[sl] = cidx[sl] + coff
                didx0[sl] = cidx[pl.ds(_CHUNK + kk * 16, 16)]
            pltpu.async_copy(feat_hbm.at[sidx0], rows0, semg).wait()
            pltpu.sync_copy(rows0, acc.at[didx0], add=True)
            return carry

        lax.fori_loop(0, _CPS, body, 0)

        plsc.subcore_barrier()
        pltpu.sync_copy(acc.at[pl.ds(s * rps, rps)],
                        out_hbm.at[pl.ds(c * N_NODES + s * rps, rps)])
        @pl.when(s == _NS - 1)
        def _write_rem():
            pltpu.sync_copy(acc.at[pl.ds(rem_base, rem)],
                            out_hbm.at[pl.ds(c * N_NODES + rem_base, rem)])

    return k(feat2, comb, zeros)


def _l2norm_body(x_ref, o_ref):
    x = x_ref[...]
    n = jnp.sqrt(jnp.sum(x * x, axis=1, keepdims=True))
    o_ref[...] = x / jnp.maximum(n, 1e-12)


def _l2norm_tc(x, blk=2000):
    n_rows = x.shape[0]
    return pl.pallas_call(
        _l2norm_body,
        grid=(n_rows // blk,),
        in_specs=[pl.BlockSpec((blk, D_F), lambda i: (i, 0))],
        out_specs=pl.BlockSpec((blk, D_F), lambda i: (i, 0)),
        out_shape=jax.ShapeDtypeStruct((n_rows, D_F), jnp.float32),
    )(x)


def _ln(x, g, b):
    m = jnp.mean(x, axis=1, keepdims=True)
    xc = x - m
    v = jnp.mean(xc * xc, axis=1, keepdims=True)
    return xc * lax.rsqrt(v + 1e-5) * g + b


def _l2n(x):
    n = jnp.sqrt(jnp.sum(x * x, axis=1, keepdims=True))
    return x / jnp.maximum(n, 1e-12)


def _fused_body(s1_ref, s2_ref, w1t_ref, b1_ref, g1_ref, bt1_ref,
                w2t_ref, b2_ref, g2_ref, bt2_ref, wint_ref, bin_ref,
                woutt_ref, bout_ref, lng_ref, lnb_ref, o_ref):
    f32 = jnp.float32
    h1 = jnp.maximum(_ln(jnp.dot(_l2n(s1_ref[...]), w1t_ref[...],
                                 preferred_element_type=f32) + b1_ref[...],
                         g1_ref[...], bt1_ref[...]), 0.0)
    h2 = jnp.maximum(_ln(jnp.dot(_l2n(s2_ref[...]), w2t_ref[...],
                                 preferred_element_type=f32) + b2_ref[...],
                         g2_ref[...], bt2_ref[...]), 0.0)
    qkv1 = jnp.dot(h1, wint_ref[...], preferred_element_type=f32) + bin_ref[...]
    qkv2 = jnp.dot(h2, wint_ref[...], preferred_element_type=f32) + bin_ref[...]
    q1, k1, v1 = qkv1[:, :D_F], qkv1[:, D_F:2 * D_F], qkv1[:, 2 * D_F:]
    q2, k2, v2 = qkv2[:, :D_F], qkv2[:, D_F:2 * D_F], qkv2[:, 2 * D_F:]
    rr = lax.broadcasted_iota(jnp.int32, (D_F, D_F), 0) // D_HEAD
    cc = lax.broadcasted_iota(jnp.int32, (D_F, D_F), 1) // D_HEAD
    hm = (rr == cc).astype(f32) * np.float32(1.0 / np.sqrt(D_HEAD))
    s11 = jnp.dot(q1 * k1, hm, preferred_element_type=f32)
    s12 = jnp.dot(q1 * k2, hm, preferred_element_type=f32)
    s21 = jnp.dot(q2 * k1, hm, preferred_element_type=f32)
    s22 = jnp.dot(q2 * k2, hm, preferred_element_type=f32)
    w11 = 1.0 / (1.0 + jnp.exp(s12 - s11))
    w21 = 1.0 / (1.0 + jnp.exp(s22 - s21))
    a1 = w11 * v1 + (1.0 - w11) * v2
    a2 = w21 * v1 + (1.0 - w21) * v2
    o1 = jnp.dot(a1, woutt_ref[...], preferred_element_type=f32) + bout_ref[...]
    o2 = jnp.dot(a2, woutt_ref[...], preferred_element_type=f32) + bout_ref[...]
    y1 = _ln(o1 + h1, lng_ref[...], lnb_ref[...])
    y2 = _ln(o2 + h2, lng_ref[...], lnb_ref[...])
    o_ref[...] = (y1 + y2) * 0.5


def _fused_tc(s1, s2, w1t, b1, g1, bt1, w2t, b2, g2, bt2,
              wint, bin_, woutt, bout, lng, lnb, blk=2000):
    n_rows = s1.shape[0]

    def row_spec():
        return pl.BlockSpec((blk, D_F), lambda i: (i, 0))

    def full_spec(shape):
        return pl.BlockSpec(shape, lambda i: tuple(0 for _ in shape))

    return pl.pallas_call(
        _fused_body,
        grid=(n_rows // blk,),
        in_specs=[
            row_spec(), row_spec(),
            full_spec((D_F, D_F)), full_spec((1, D_F)), full_spec((1, D_F)),
            full_spec((1, D_F)),
            full_spec((D_F, D_F)), full_spec((1, D_F)), full_spec((1, D_F)),
            full_spec((1, D_F)),
            full_spec((D_F, 3 * D_F)), full_spec((1, 3 * D_F)),
            full_spec((D_F, D_F)), full_spec((1, D_F)),
            full_spec((1, D_F)), full_spec((1, D_F)),
        ],
        out_specs=pl.BlockSpec((blk, D_F), lambda i: (i, 0)),
        out_shape=jax.ShapeDtypeStruct((n_rows, D_F), jnp.float32),
    )(s1, s2, w1t, b1, g1, bt1, w2t, b2, g2, bt2, wint, bin_, woutt, bout,
      lng, lnb)


def kernel(feat_A, feat_P, edge_AP, edge_PA, W1, b1, g1, beta1, W2, b2, g2,
           beta2, attn_in_w, attn_in_b, attn_out_w, attn_out_b, ln_g, ln_b):
    fA = jnp.transpose(feat_A, (1, 0, 2)).reshape(N_VIEWS * N_NODES, D_F)
    fP = jnp.transpose(feat_P, (1, 0, 2)).reshape(N_VIEWS * N_NODES, D_F)
    zeros = jnp.zeros((N_NODES, D_F), jnp.float32)

    n_pad = _EPAD - E_EDGES
    pad_src = jnp.zeros((n_pad,), jnp.int32)
    pad_dst = N_NODES + (jnp.arange(n_pad, dtype=jnp.int32) % _NDUMMY)

    def mk_comb(src, dst):
        sr = jnp.concatenate([src, pad_src]).reshape(-1, 1, _CHUNK)
        dr = jnp.concatenate([dst, pad_dst]).reshape(-1, 1, _CHUNK)
        return jnp.concatenate([sr, dr], axis=1).reshape(-1)

    comb_AP = mk_comb(edge_AP[0], edge_AP[1])
    comb_PA = mk_comb(edge_PA[0], edge_PA[1])

    s1 = _spmm_sc(fA, comb_AP, zeros)
    t = _spmm_sc(fP, comb_PA, zeros)
    tn = _l2norm_tc(t)
    s2 = _spmm_sc(tn, comb_AP, zeros)

    r2 = lambda v: v.reshape(1, -1)
    hP = _fused_tc(s1, s2, W1.T, r2(b1), r2(g1), r2(beta1),
                   W2.T, r2(b2), r2(g2), r2(beta2),
                   attn_in_w.T, r2(attn_in_b), attn_out_w.T, r2(attn_out_b),
                   r2(ln_g), r2(ln_b))
    h_P = hP.reshape(N_VIEWS, N_NODES, D_F).transpose(1, 0, 2)
    return feat_A, h_P

# --- scband reference (transcript-rebuilt; emitter-appended) ---
"""Pipeline reference for scband-metapath-aggregation-17248588660756 (READ-ONLY COPY).

The authoritative reference and input builder live on the scoring server;
editing this copy changes nothing except your own understanding.
"""

import jax, jax.numpy as jnp
import numpy as np

N_A = 10000
N_P = 10000
E = 320000
V = 2
D_IN = 128
D_OUT = 128
NUM_HEADS = 4


def _init_linear(key, d_out, d_in):
    k1, k2 = jax.random.split(key)
    bound = 1.0 / np.sqrt(d_in)
    W = jax.random.uniform(k1, (d_out, d_in), minval=-bound, maxval=bound, dtype=jnp.float32)
    b = jax.random.uniform(k2, (d_out,), minval=-bound, maxval=bound, dtype=jnp.float32)
    return W, b


def setup_inputs(seed: int = 0):
    key = jax.random.key(seed)
    ks = jax.random.split(key, 10)
    feat_A = jax.random.normal(ks[0], (N_A, V, D_IN), dtype=jnp.float32)
    feat_P = jax.random.normal(ks[1], (N_P, V, D_IN), dtype=jnp.float32)
    edge_AP = jax.random.randint(ks[2], (2, E), 0, N_P, dtype=jnp.int32)
    edge_PA = jax.random.randint(ks[3], (2, E), 0, N_A, dtype=jnp.int32)
    W1, b1 = _init_linear(ks[4], D_OUT, D_IN)
    W2, b2 = _init_linear(ks[5], D_OUT, D_IN)
    attn_in_w, attn_in_b = _init_linear(ks[6], 3 * D_OUT, D_OUT)
    attn_out_w, attn_out_b = _init_linear(ks[7], D_OUT, D_OUT)
    return {
        'feat_A': feat_A, 'feat_P': feat_P,
        'edge_AP': edge_AP, 'edge_PA': edge_PA,
        'W1': W1, 'b1': b1, 'g1': jnp.ones((D_OUT,), jnp.float32), 'beta1': jnp.zeros((D_OUT,), jnp.float32),
        'W2': W2, 'b2': b2, 'g2': jnp.ones((D_OUT,), jnp.float32), 'beta2': jnp.zeros((D_OUT,), jnp.float32),
        'attn_in_w': attn_in_w, 'attn_in_b': attn_in_b,
        'attn_out_w': attn_out_w, 'attn_out_b': attn_out_b,
        'ln_g': jnp.ones((D_OUT,), jnp.float32), 'ln_b': jnp.zeros((D_OUT,), jnp.float32),
    }


def _spmm_t(edge, h, n_dst):
    # torch.sparse.mm(adj.t(), h[:, v, :]) for a binary sparse adj given as (src,dst) edge list.
    # Applied to all V views at once: gather h[src] ([E, V, D]) then scatter-add over dst.
    return jax.ops.segment_sum(h[edge[0]], edge[1], num_segments=n_dst)


def _l2norm(x):
    n = jnp.linalg.norm(x, axis=-1, keepdims=True)
    return x / jnp.maximum(n, 1e-12)


def _ln(x, g, b):
    m = x.mean(axis=-1, keepdims=True)
    v = x.var(axis=-1, keepdims=True)
    return (x - m) / jnp.sqrt(v + 1e-5) * g + b


def _mha(x, in_w, in_b, out_w, out_b, num_heads):
    # PyTorch nn.MultiheadAttention self-attention, batch_first=True
    B, L, D = x.shape
    qkv = x @ in_w.T + in_b
    q, k, v = jnp.split(qkv, 3, axis=-1)
    dh = D // num_heads
    def rs(t):
        return t.reshape(B, L, num_heads, dh).transpose(0, 2, 1, 3)
    q, k, v = rs(q), rs(k), rs(v)
    scores = (q @ k.transpose(0, 1, 3, 2)) / np.sqrt(dh)
    w = jax.nn.softmax(scores, axis=-1)
    o = (w @ v).transpose(0, 2, 1, 3).reshape(B, L, D)
    return o @ out_w.T + out_b


def reference(feat_A, feat_P, edge_AP, edge_PA, W1, b1, g1, beta1, W2, b2, g2, beta2, attn_in_w, attn_in_b, attn_out_w, attn_out_b, ln_g, ln_b):
    # node type 'A' has no metapaths -> passthrough
    h_A = feat_A
    # metapath A->P
    h1 = _l2norm(_spmm_t(edge_AP, feat_A, N_P))
    h1 = jax.nn.relu(_ln(h1 @ W1.T + b1, g1, beta1))
    # metapath P->A->P
    h2 = _l2norm(_spmm_t(edge_PA, feat_P, N_A))
    h2 = _l2norm(_spmm_t(edge_AP, h2, N_P))
    h2 = jax.nn.relu(_ln(h2 @ W2.T + b2, g2, beta2))
    stacked = jnp.stack([h1, h2], axis=2)  # [N_P, V, n_metapaths, D]
    outs = []
    for vi in range(V):
        view = stacked[:, vi]  # [N_P, n_metapaths, D]
        attn = _mha(view, attn_in_w, attn_in_b, attn_out_w, attn_out_b, NUM_HEADS)
        o = _ln(attn + view, ln_g, ln_b)
        outs.append(o.mean(axis=1))
    h_P = jnp.stack(outs, axis=1)  # [N_P, V, D]
    return h_A, h_P

if __name__ == "__main__":
    import jax
    _d = setup_inputs()
    print(jax.jit(kernel)(*tuple(_d.values())))

</pallas_src>

<mosaic_0001>
#map = affine_map<(d0, d1) -> (0, 0)>
#map1 = affine_map<(d0, d1) -> (0)>
module attributes {stable_mosaic.version = 14 : i64} {
  func.func @k(%arg0: i32, %arg1: i32, %arg2: memref<20000x128xf32, #tpu.memory_space<hbm>>, %arg3: memref<643072xi32, #tpu.memory_space<hbm>>, %arg4: memref<10000x128xf32, #tpu.memory_space<hbm>>, %arg5: memref<20000x128xf32, #tpu.memory_space<hbm>>, %arg6: memref<256xi32, #tpu.memory_space<vmem>>, %arg7: memref<128xi32, #tpu.memory_space<vmem>>, %arg8: memref<128xi32, #tpu.memory_space<vmem>>, %arg9: memref<128x128xf32, #tpu.memory_space<vmem>>, %arg10: memref<10128x128xf32, #tpu.memory_space<vmem_shared>>, %arg11: memref<!tpu.dma_semaphore, #tpu.memory_space<semaphore_mem>>) attributes {dimension_semantics = [#tpu.dimension_semantics<core_parallel>, #tpu.dimension_semantics<subcore_parallel>], iteration_bounds = array<i64: 2, 16>, scalar_prefetch = 0 : i64, scratch_operands = 6 : i64, tpu.core_type = #tpu.core_type<sc_vector_subcore>, window_params = [{transform_indices = #map}, {transform_indices = #map1}, {transform_indices = #map}, {transform_indices = #map}]} {
    %mul3A = arith.constant 10000 : i32
    %mul3A_0 = arith.muli %arg0, %mul3A : i32
    %mul3A_1 = arith.constant 157 : i32
    %mul3A_2 = arith.muli %arg1, %mul3A_1 : i32
    %mul3A_3 = arith.constant 2 : i32
    %mul3A_4 = arith.muli %mul3A_2, %mul3A_3 : i32
    %mul3A_5 = arith.constant 128 : i32
    %mul3A_6 = arith.muli %mul3A_4, %mul3A_5 : i32
    %mul3A_7 = arith.constant 624 : i32
    %mul3A_8 = arith.muli %arg1, %mul3A_7 : i32
    %mul3A_9 = arith.constant 624 : i32
    %mul3A_10 = arith.muli %arg1, %mul3A_9 : i32
    "tpu.region"() ({
      %run_scoped3A = tpu.sem_alloc : memref<!tpu.dma_semaphore, #tpu.memory_space<semaphore_mem>>
      %dma_start3A = arith.constant 0 : i32
      %dma_start3A_30 = tpu.memref_slice %arg10[%mul3A_10, %dma_start3A] : memref<10128x128xf32, #tpu.memory_space<vmem_shared>> -> memref<624x128xf32, #tpu.memory_space<vmem_shared>>
      %dma_start3A_31 = arith.constant 0 : i32
      %dma_start3A_32 = tpu.memref_slice %arg4[%mul3A_8, %dma_start3A_31] : memref<10000x128xf32, #tpu.memory_space<hbm>> -> memref<624x128xf32, #tpu.memory_space<hbm>>
      tpu.enqueue_dma source(%dma_start3A_32 : memref<624x128xf32, #tpu.memory_space<hbm>>) target(%dma_start3A_30 : memref<624x128xf32, #tpu.memory_space<vmem_shared>>) target_semaphore(%run_scoped3A : memref<!tpu.dma_semaphore, #tpu.memory_space<semaphore_mem>>)
      %dma_wait3A = arith.constant 0 : i32
      %dma_wait3A_33 = tpu.memref_slice %arg10[%mul3A_10, %dma_wait3A] : memref<10128x128xf32, #tpu.memory_space<vmem_shared>> -> memref<624x128xf32, #tpu.memory_space<vmem_shared>>
      %dma_wait3A_34 = arith.constant 0 : i32
      %dma_wait3A_35 = tpu.memref_slice %arg4[%mul3A_8, %dma_wait3A_34] : memref<10000x128xf32, #tpu.memory_space<hbm>> -> memref<624x128xf32, #tpu.memory_space<hbm>>
      tpu.wait_dma2 semaphore(%run_scoped3A : memref<!tpu.dma_semaphore, #tpu.memory_space<semaphore_mem>>) src(%dma_wait3A_35 : memref<624x128xf32, #tpu.memory_space<hbm>>) dst(%dma_wait3A_33 : memref<624x128xf32, #tpu.memory_space<vmem_shared>>)
      tpu.yield
    }) : () -> ()
    %eq3A = arith.constant 15 : i32
    %eq3A_11 = arith.cmpi eq, %arg1, %eq3A : i32
    %convert_element_type3A = arith.extui %eq3A_11 : i1 to i32
    %cond3A = arith.constant 0 : i32
    %cond3A_12 = arith.cmpi ne, %convert_element_type3A, %cond3A : i32
    scf.if %cond3A_12 {
      "tpu.region"() ({
        %run_scoped3A = tpu.sem_alloc : memref<!tpu.dma_semaphore, #tpu.memory_space<semaphore_mem>>
        %dma_start3A = arith.constant 9984 : i32
        %dma_start3A_30 = arith.constant 0 : i32
        %dma_start3A_31 = tpu.memref_slice %arg10[%dma_start3A, %dma_start3A_30] : memref<10128x128xf32, #tpu.memory_space<vmem_shared>> -> memref<16x128xf32, #tpu.memory_space<vmem_shared>>
        %dma_start3A_32 = arith.constant 9984 : i32
        %dma_start3A_33 = arith.constant 0 : i32
        %dma_start3A_34 = tpu.memref_slice %arg4[%dma_start3A_32, %dma_start3A_33] : memref<10000x128xf32, #tpu.memory_space<hbm>> -> memref<16x128xf32, #tpu.memory_space<hbm>>
        tpu.enqueue_dma source(%dma_start3A_34 : memref<16x128xf32, #tpu.memory_space<hbm>>) target(%dma_start3A_31 : memref<16x128xf32, #tpu.memory_space<vmem_shared>>) target_semaphore(%run_scoped3A : memref<!tpu.dma_semaphore, #tpu.memory_space<semaphore_mem>>)
        %dma_wait3A = arith.constant 9984 : i32
        %dma_wait3A_35 = arith.constant 0 : i32
        %dma_wait3A_36 = tpu.memref_slice %arg10[%dma_wait3A, %dma_wait3A_35] : memref<10128x128xf32, #tpu.memory_space<vmem_shared>> -> memref<16x128xf32, #tpu.memory_space<vmem_shared>>
        %dma_wait3A_37 = arith.constant 9984 : i32
        %dma_wait3A_38 = arith.constant 0 : i32
        %dma_wait3A_39 = tpu.memref_slice %arg4[%dma_wait3A_37, %dma_wait3A_38] : memref<10000x128xf32, #tpu.memory_space<hbm>> -> memref<16x128xf32, #tpu.memory_space<hbm>>
        tpu.wait_dma2 semaphore(%run_scoped3A : memref<!tpu.dma_semaphore, #tpu.memory_space<semaphore_mem>>) src(%dma_wait3A_39 : memref<16x128xf32, #tpu.memory_space<hbm>>) dst(%dma_wait3A_36 : memref<16x128xf32, #tpu.memory_space<vmem_shared>>)
        tpu.yield
      }) : () -> ()
    } else {
    }
    %barrier3A = arith.constant 0 : index
    tpu.barrier barrier_id(%barrier3A)
    %scan3A = arith.constant 0 : i32
    %scan3A_13 = arith.constant 0 : i32
    %scan3A_14 = arith.constant 157 : i32
    %scan3A_15 = arith.addi %scan3A_13, %scan3A_14 : i32
    %scan3A_16 = arith.constant 1 : i32
    scf.for %scan3A_30 = %scan3A_13 to %scan3A_15 step %scan3A_16  : i32 {
      %mul3A_31 = arith.constant 2 : i32
      %mul3A_32 = arith.muli %scan3A_30, %mul3A_31 : i32
      %mul3A_33 = arith.constant 128 : i32
      %mul3A_34 = arith.muli %mul3A_32, %mul3A_33 : i32
      %add3A_35 = arith.addi %mul3A_6, %mul3A_34 : i32
      "tpu.region"() ({
        %run_scoped3A = tpu.sem_alloc : memref<!tpu.dma_semaphore, #tpu.memory_space<semaphore_mem>>
        %dma_start3A_166 = tpu.memref_slice %arg3[%add3A_35] : memref<643072xi32, #tpu.memory_space<hbm>> -> memref<256xi32, #tpu.memory_space<hbm>>
        %dma_start3A_167 = tpu.memref_slice %arg3[%add3A_35] : memref<643072xi32, #tpu.memory_space<hbm>> -> memref<256xi32, #tpu.memory_space<hbm>>
        tpu.enqueue_dma source(%dma_start3A_167 : memref<256xi32, #tpu.memory_space<hbm>>) target(%arg6 : memref<256xi32, #tpu.memory_space<vmem>>) target_semaphore(%run_scoped3A : memref<!tpu.dma_semaphore, #tpu.memory_space<semaphore_mem>>)
        %dma_wait3A_168 = tpu.memref_slice %arg3[%add3A_35] : memref<643072xi32, #tpu.memory_space<hbm>> -> memref<256xi32, #tpu.memory_space<hbm>>
        %dma_wait3A_169 = tpu.memref_slice %arg3[%add3A_35] : memref<643072xi32, #tpu.memory_space<hbm>> -> memref<256xi32, #tpu.memory_space<hbm>>
        tpu.wait_dma2 semaphore(%run_scoped3A : memref<!tpu.dma_semaphore, #tpu.memory_space<semaphore_mem>>) src(%dma_wait3A_169 : memref<256xi32, #tpu.memory_space<hbm>>) dst(%arg6 : memref<256xi32, #tpu.memory_space<vmem>>)
        tpu.yield
      }) : () -> ()
      %get3A = arith.constant 0 : index
      %get3A_36 = tpu.vector_load %arg6[%get3A] {strides = array<i32>} : memref<256xi32, #tpu.memory_space<vmem>>, vector<16xi32>,
      %get3A_37 = vector.shape_cast %get3A_36 : vector<16xi32> to vector<16xi32>
      %add3A_38 = vector.broadcast %mul3A_0 : i32 to vector<16xi32>
      %add3A_39 = arith.addi %get3A_37, %add3A_38 : vector<16xi32>
      %swap3A = arith.constant 0 : index
      %swap3A_40 = tpu.vector_load %arg7[%swap3A] {strides = array<i32>} : memref<128xi32, #tpu.memory_space<vmem>>, vector<16xi32>,
      %swap3A_41 = vector.shape_cast %swap3A_40 : vector<16xi32> to vector<16xi32>
      %swap3A_42 = vector.shape_cast %add3A_39 : vector<16xi32> to vector<16xi32>
      tpu.vector_store %arg7[%swap3A], %swap3A_42 {strides = array<i32>} : memref<128xi32, #tpu.memory_space<vmem>>, vector<16xi32>,
      %get3A_43 = arith.constant 128 : index
      %get3A_44 = tpu.vector_load %arg6[%get3A_43] {strides = array<i32>} : memref<256xi32, #tpu.memory_space<vmem>>, vector<16xi32>,
      %get3A_45 = vector.shape_cast %get3A_44 : vector<16xi32> to vector<16xi32>
      %swap3A_46 = arith.constant 0 : index
      %swap3A_47 = tpu.vector_load %arg8[%swap3A_46] {strides = array<i32>} : memref<128xi32, #tpu.memory_space<vmem>>, vector<16xi32>,
      %swap3A_48 = vector.shape_cast %swap3A_47 : vector<16xi32> to vector<16xi32>
      %swap3A_49 = vector.shape_cast %get3A_45 : vector<16xi32> to vector<16xi32>
      tpu.vector_store %arg8[%swap3A_46], %swap3A_49 {strides = array<i32>} : memref<128xi32, #tpu.memory_space<vmem>>, vector<16xi32>,
      %get3A_50 = arith.constant 16 : index
      %get3A_51 = tpu.vector_load %arg6[%get3A_50] {strides = array<i32>} : memref<256xi32, #tpu.memory_space<vmem>>, vector<16xi32>,
      %get3A_52 = vector.shape_cast %get3A_51 : vector<16xi32> to vector<16xi32>
      %add3A_53 = vector.broadcast %mul3A_0 : i32 to vector<16xi32>
      %add3A_54 = arith.addi %get3A_52, %add3A_53 : vector<16xi32>
      %swap3A_55 = arith.constant 16 : index
      %swap3A_56 = tpu.vector_load %arg7[%swap3A_55] {strides = array<i32>} : memref<128xi32, #tpu.memory_space<vmem>>, vector<16xi32>,
      %swap3A_57 = vector.shape_cast %swap3A_56 : vector<16xi32> to vector<16xi32>
      %swap3A_58 = vector.shape_cast %add3A_54 : vector<16xi32> to vector<16xi32>
      tpu.vector_store %arg7[%swap3A_55], %swap3A_58 {strides = array<i32>} : memref<128xi32, #tpu.memory_space<vmem>>, vector<16xi32>,
      %get3A_59 = arith.constant 144 : index
      %get3A_60 = tpu.vector_load %arg6[%get3A_59] {strides = array<i32>} : memref<256xi32, #tpu.memory_space<vmem>>, vector<16xi32>,
      %get3A_61 = vector.shape_cast %get3A_60 : vector<16xi32> to vector<16xi32>
      %swap3A_62 = arith.constant 16 : index
      %swap3A_63 = tpu.vector_load %arg8[%swap3A_62] {strides = array<i32>} : memref<128xi32, #tpu.memory_space<vmem>>, vector<16xi32>,
      %swap3A_64 = vector.shape_cast %swap3A_63 : vector<16xi32> to vector<16xi32>
      %swap3A_65 = vector.shape_cast %get3A_61 : vector<16xi32> to vector<16xi32>
      tpu.vector_store %arg8[%swap3A_62], %swap3A_65 {strides = array<i32>} : memref<128xi32, #tpu.memory_space<vmem>>, vector<16xi32>,
      %get3A_66 = arith.constant 32 : index
      %get3A_67 = tpu.vector_load %arg6[%get3A_66] {strides = array<i32>} : memref<256xi32, #tpu.memory_space<vmem>>, vector<16xi32>,
      %get3A_68 = vector.shape_cast %get3A_67 : vector<16xi32> to vector<16xi32>
      %add3A_69 = vector.broadcast %mul3A_0 : i32 to vector<16xi32>
      %add3A_70 = arith.addi %get3A_68, %add3A_69 : vector<16xi32>
      %swap3A_71 = arith.constant 32 : index
      %swap3A_72 = tpu.vector_load %arg7[%swap3A_71] {strides = array<i32>} : memref<128xi32, #tpu.memory_space<vmem>>, vector<16xi32>,
      %swap3A_73 = vector.shape_cast %swap3A_72 : vector<16xi32> to vector<16xi32>
      %swap3A_74 = vector.shape_cast %add3A_70 : vector<16xi32> to vector<16xi32>
      tpu.vector_store %arg7[%swap3A_71], %swap3A_74 {strides = array<i32>} : memref<128xi32, #tpu.memory_space<vmem>>, vector<16xi32>,
      %get3A_75 = arith.constant 160 : index
      %get3A_76 = tpu.vector_load %arg6[%get3A_75] {strides = array<i32>} : memref<256xi32, #tpu.memory_space<vmem>>, vector<16xi32>,
      %get3A_77 = vector.shape_cast %get3A_76 : vector<16xi32> to vector<16xi32>
      %swap3A_78 = arith.constant 32 : index
      %swap3A_79 = tpu.vector_load %arg8[%swap3A_78] {strides = array<i32>} : memref<128xi32, #tpu.memory_space<vmem>>, vector<16xi32>,
      %swap3A_80 = vector.shape_cast %swap3A_79 : vector<16xi32> to vector<16xi32>
      %swap3A_81 = vector.shape_cast %get3A_77 : vector<16xi32> to vector<16xi32>
      tpu.vector_store %arg8[%swap3A_78], %swap3A_81 {strides = array<i32>} : memref<128xi32, #tpu.memory_space<vmem>>, vector<16xi32>,
      %get3A_82 = arith.constant 48 : index
      %get3A_83 = tpu.vector_load %arg6[%get3A_82] {strides = array<i32>} : memref<256xi32, #tpu.memory_space<vmem>>, vector<16xi32>,
      %get3A_84 = vector.shape_cast %get3A_83 : vector<16xi32> to vector<16xi32>
      %add3A_85 = vector.broadcast %mul3A_0 : i32 to vector<16xi32>
      %add3A_86 = arith.addi %get3A_84, %add3A_85 : vector<16xi32>
      %swap3A_87 = arith.constant 48 : index
      %swap3A_88 = tpu.vector_load %arg7[%swap3A_87] {strides = array<i32>} : memref<128xi32, #tpu.memory_space<vmem>>, vector<16xi32>,
      %swap3A_89 = vector.shape_cast %swap3A_88 : vector<16xi32> to vector<16xi32>
      %swap3A_90 = vector.shape_cast %add3A_86 : vector<16xi32> to vector<16xi32>
      tpu.vector_store %arg7[%swap3A_87], %swap3A_90 {strides = array<i32>} : memref<128xi32, #tpu.memory_space<vmem>>, vector<16xi32>,
      %get3A_91 = arith.constant 176 : index
      %get3A_92 = tpu.vector_load %arg6[%get3A_91] {strides = array<i32>} : memref<256xi32, #tpu.memory_space<vmem>>, vector<16xi32>,
      %get3A_93 = vector.shape_cast %get3A_92 : vector<16xi32> to vector<16xi32>
      %swap3A_94 = arith.constant 48 : index
      %swap3A_95 = tpu.vector_load %arg8[%swap3A_94] {strides = array<i32>} : memref<128xi32, #tpu.memory_space<vmem>>, vector<16xi32>,
      %swap3A_96 = vector.shape_cast %swap3A_95 : vector<16xi32> to vector<16xi32>
      %swap3A_97 = vector.shape_cast %get3A_93 : vector<16xi32> to vector<16xi32>
      tpu.vector_store %arg8[%swap3A_94], %swap3A_97 {strides = array<i32>} : memref<128xi32, #tpu.memory_space<vmem>>, vector<16xi32>,
      %get3A_98 = arith.constant 64 : index
      %get3A_99 = tpu.vector_load %arg6[%get3A_98] {strides = array<i32>} : memref<256xi32, #tpu.memory_space<vmem>>, vector<16xi32>,
      %get3A_100 = vector.shape_cast %get3A_99 : vector<16xi32> to vector<16xi32>
      %add3A_101 = vector.broadcast %mul3A_0 : i32 to vector<16xi32>
      %add3A_102 = arith.addi %get3A_100, %add3A_101 : vector<16xi32>
      %swap3A_103 = arith.constant 64 : index
      %swap3A_104 = tpu.vector_load %arg7[%swap3A_103] {strides = array<i32>} : memref<128xi32, #tpu.memory_space<vmem>>, vector<16xi32>,
      %swap3A_105 = vector.shape_cast %swap3A_104 : vector<16xi32> to vector<16xi32>
      %swap3A_106 = vector.shape_cast %add3A_102 : vector<16xi32> to vector<16xi32>
      tpu.vector_store %arg7[%swap3A_103], %swap3A_106 {strides = array<i32>} : memref<128xi32, #tpu.memory_space<vmem>>, vector<16xi32>,
      %get3A_107 = arith.constant 192 : index
      %get3A_108 = tpu.vector_load %arg6[%get3A_107] {strides = array<i32>} : memref<256xi32, #tpu.memory_space<vmem>>, vector<16xi32>,
      %get3A_109 = vector.shape_cast %get3A_108 : vector<16xi32> to vector<16xi32>
      %swap3A_110 = arith.constant 64 : index
      %swap3A_111 = tpu.vector_load %arg8[%swap3A_110] {strides = array<i32>} : memref<128xi32, #tpu.memory_space<vmem>>, vector<16xi32>,
      %swap3A_112 = vector.shape_cast %swap3A_111 : vector<16xi32> to vector<16xi32>
      %swap3A_113 = vector.shape_cast %get3A_109 : vector<16xi32> to vector<16xi32>
      tpu.vector_store %arg8[%swap3A_110], %swap3A_113 {strides = array<i32>} : memref<128xi32, #tpu.memory_space<vmem>>, vector<16xi32>,
      %get3A_114 = arith.constant 80 : index
      %get3A_115 = tpu.vector_load %arg6[%get3A_114] {strides = array<i32>} : memref<256xi32, #tpu.memory_space<vmem>>, vector<16xi32>,
      %get3A_116 = vector.shape_cast %get3A_115 : vector<16xi32> to vector<16xi32>
      %add3A_117 = vector.broadcast %mul3A_0 : i32 to vector<16xi32>
      %add3A_118 = arith.addi %get3A_116, %add3A_117 : vector<16xi32>
      %swap3A_119 = arith.constant 80 : index
      %swap3A_120 = tpu.vector_load %arg7[%swap3A_119] {strides = array<i32>} : memref<128xi32, #tpu.memory_space<vmem>>, vector<16xi32>,
      %swap3A_121 = vector.shape_cast %swap3A_120 : vector<16xi32> to vector<16xi32>
      %swap3A_122 = vector.shape_cast %add3A_118 : vector<16xi32> to vector<16xi32>
      tpu.vector_store %arg7[%swap3A_119], %swap3A_122 {strides = array<i32>} : memref<128xi32, #tpu.memory_space<vmem>>, vector<16xi32>,
      %get3A_123 = arith.constant 208 : index
      %get3A_124 = tpu.vector_load %arg6[%get3A_123] {strides = array<i32>} : memref<256xi32, #tpu.memory_space<vmem>>, vector<16xi32>,
      %get3A_125 = vector.shape_cast %get3A_124 : vector<16xi32> to vector<16xi32>
      %swap3A_126 = arith.constant 80 : index
      %swap3A_127 = tpu.vector_load %arg8[%swap3A_126] {strides = array<i32>} : memref<128xi32, #tpu.memory_space<vmem>>, vector<16xi32>,
      %swap3A_128 = vector.shape_cast %swap3A_127 : vector<16xi32> to vector<16xi32>
      %swap3A_129 = vector.shape_cast %get3A_125 : vector<16xi32> to vector<16xi32>
      tpu.vector_store %arg8[%swap3A_126], %swap3A_129 {strides = array<i32>} : memref<128xi32, #tpu.memory_space<vmem>>, vector<16xi32>,
      %get3A_130 = arith.constant 96 : index
      %get3A_131 = tpu.vector_load %arg6[%get3A_130] {strides = array<i32>} : memref<256xi32, #tpu.memory_space<vmem>>, vector<16xi32>,
      %get3A_132 = vector.shape_cast %get3A_131 : vector<16xi32> to vector<16xi32>
      %add3A_133 = vector.broadcast %mul3A_0 : i32 to vector<16xi32>
      %add3A_134 = arith.addi %get3A_132, %add3A_133 : vector<16xi32>
      %swap3A_135 = arith.constant 96 : index
      %swap3A_136 = tpu.vector_load %arg7[%swap3A_135] {strides = array<i32>} : memref<128xi32, #tpu.memory_space<vmem>>, vector<16xi32>,
      %swap3A_137 = vector.shape_cast %swap3A_136 : vector<16xi32> to vector<16xi32>
      %swap3A_138 = vector.shape_cast %add3A_134 : vector<16xi32> to vector<16xi32>
      tpu.vector_store %arg7[%swap3A_135], %swap3A_138 {strides = array<i32>} : memref<128xi32, #tpu.memory_space<vmem>>, vector<16xi32>,
      %get3A_139 = arith.constant 224 : index
      %get3A_140 = tpu.vector_load %arg6[%get3A_139] {strides = array<i32>} : memref<256xi32, #tpu.memory_space<vmem>>, vector<16xi32>,
      %get3A_141 = vector.shape_cast %get3A_140 : vector<16xi32> to vector<16xi32>
      %swap3A_142 = arith.constant 96 : index
      %swap3A_143 = tpu.vector_load %arg8[%swap3A_142] {strides = array<i32>} : memref<128xi32, #tpu.memory_space<vmem>>, vector<16xi32>,
      %swap3A_144 = vector.shape_cast %swap3A_143 : vector<16xi32> to vector<16xi32>
      %swap3A_145 = vector.shape_cast %get3A_141 : vector<16xi32> to vector<16xi32>
      tpu.vector_store %arg8[%swap3A_142], %swap3A_145 {strides = array<i32>} : memref<128xi32, #tpu.memory_space<vmem>>, vector<16xi32>,
      %get3A_146 = arith.constant 112 : index
      %get3A_147 = tpu.vector_load %arg6[%get3A_146] {strides = array<i32>} : memref<256xi32, #tpu.memory_space<vmem>>, vector<16xi32>,
      %get3A_148 = vector.shape_cast %get3A_147 : vector<16xi32> to vector<16xi32>
      %add3A_149 = vector.broadcast %mul3A_0 : i32 to vector<16xi32>
      %add3A_150 = arith.addi %get3A_148, %add3A_149 : vector<16xi32>
      %swap3A_151 = arith.constant 112 : index
      %swap3A_152 = tpu.vector_load %arg7[%swap3A_151] {strides = array<i32>} : memref<128xi32, #tpu.memory_space<vmem>>, vector<16xi32>,
      %swap3A_153 = vector.shape_cast %swap3A_152 : vector<16xi32> to vector<16xi32>
      %swap3A_154 = vector.shape_cast %add3A_150 : vector<16xi32> to vector<16xi32>
      tpu.vector_store %arg7[%swap3A_151], %swap3A_154 {strides = array<i32>} : memref<128xi32, #tpu.memory_space<vmem>>, vector<16xi32>,
      %get3A_155 = arith.constant 240 : index
      %get3A_156 = tpu.vector_load %arg6[%get3A_155] {strides = array<i32>} : memref<256xi32, #tpu.memory_space<vmem>>, vector<16xi32>,
      %get3A_157 = vector.shape_cast %get3A_156 : vector<16xi32> to vector<16xi32>
      %swap3A_158 = arith.constant 112 : index
      %swap3A_159 = tpu.vector_load %arg8[%swap3A_158] {strides = array<i32>} : memref<128xi32, #tpu.memory_space<vmem>>, vector<16xi32>,
      %swap3A_160 = vector.shape_cast %swap3A_159 : vector<16xi32> to vector<16xi32>
      %swap3A_161 = vector.shape_cast %get3A_157 : vector<16xi32> to vector<16xi32>
      tpu.vector_store %arg8[%swap3A_158], %swap3A_161 {strides = array<i32>} : memref<128xi32, #tpu.memory_space<vmem>>, vector<16xi32>,
      %dma_start3A = arith.constant 0 : i32
      %dma_start3A_162 = arith.constant 0 : i32
      %dma_start3A_163 = tpu.memref_slice %arg2[%dma_start3A, %dma_start3A_162] : memref<20000x128xf32, #tpu.memory_space<hbm>> -> memref<20000x128xf32, #tpu.memory_space<hbm>>
      tpu.enqueue_indirect_dma source(%dma_start3A_163 : memref<20000x128xf32, #tpu.memory_space<hbm>>) target(%arg9 : memref<128x128xf32, #tpu.memory_space<vmem>>) offsets(%arg7 : memref<128xi32, #tpu.memory_space<vmem>>) semaphore(%arg11 : memref<!tpu.dma_semaphore, #tpu.memory_space<semaphore_mem>>)
      %dma_wait3A = arith.constant 0 : i32
      %dma_wait3A_164 = arith.constant 0 : i32
      %dma_wait3A_165 = tpu.memref_slice %arg2[%dma_wait3A, %dma_wait3A_164] : memref<20000x128xf32, #tpu.memory_space<hbm>> -> memref<20000x128xf32, #tpu.memory_space<hbm>>
      tpu.wait_indirect_dma semaphore(%arg11 : memref<!tpu.dma_semaphore, #tpu.memory_space<semaphore_mem>>) src(%dma_wait3A_165 : memref<20000x128xf32, #tpu.memory_space<hbm>>) dst(%arg9 : memref<128x128xf32, #tpu.memory_space<vmem>>)
      "tpu.region"() ({
        %run_scoped3A = tpu.sem_alloc : memref<!tpu.dma_semaphore, #tpu.memory_space<semaphore_mem>>
        %dma_start3A_166 = arith.constant 0 : i32
        %dma_start3A_167 = arith.constant 0 : i32
        %dma_start3A_168 = tpu.memref_slice %arg10[%dma_start3A_166, %dma_start3A_167] : memref<10128x128xf32, #tpu.memory_space<vmem_shared>> -> memref<10128x128xf32, #tpu.memory_space<vmem_shared>>
        tpu.enqueue_indirect_dma source(%arg9 : memref<128x128xf32, #tpu.memory_space<vmem>>) target(%dma_start3A_168 : memref<10128x128xf32, #tpu.memory_space<vmem_shared>>) offsets(%arg8 : memref<128xi32, #tpu.memory_space<vmem>>) semaphore(%run_scoped3A : memref<!tpu.dma_semaphore, #tpu.memory_space<semaphore_mem>>) {add = true}
        %dma_wait3A_169 = arith.constant 0 : i32
        %dma_wait3A_170 = arith.constant 0 : i32
        %dma_wait3A_171 = tpu.memref_slice %arg10[%dma_wait3A_169, %dma_wait3A_170] : memref<10128x128xf32, #tpu.memory_space<vmem_shared>> -> memref<10128x128xf32, #tpu.memory_space<vmem_shared>>
        tpu.wait_indirect_dma semaphore(%run_scoped3A : memref<!tpu.dma_semaphore, #tpu.memory_space<semaphore_mem>>) src(%arg9 : memref<128x128xf32, #tpu.memory_space<vmem>>) dst(%dma_wait3A_171 : memref<10128x128xf32, #tpu.memory_space<vmem_shared>>)
        tpu.yield
      }) : () -> ()
    }
    %scan3A_17 = arith.constant 157 : i32
    %barrier3A_18 = arith.constant 0 : index
    tpu.barrier barrier_id(%barrier3A_18)
    %mul3A_19 = arith.constant 624 : i32
    %mul3A_20 = arith.muli %arg1, %mul3A_19 : i32
    %mul3A_21 = arith.constant 10000 : i32
    %mul3A_22 = arith.muli %arg0, %mul3A_21 : i32
    %mul3A_23 = arith.constant 624 : i32
    %mul3A_24 = arith.muli %arg1, %mul3A_23 : i32
    %add3A = arith.addi %mul3A_22, %mul3A_24 : i32
    "tpu.region"() ({
      %run_scoped3A = tpu.sem_alloc : memref<!tpu.dma_semaphore, #tpu.memory_space<semaphore_mem>>
      %dma_start3A = arith.constant 0 : i32
      %dma_start3A_30 = tpu.memref_slice %arg5[%add3A, %dma_start3A] : memref<20000x128xf32, #tpu.memory_space<hbm>> -> memref<624x128xf32, #tpu.memory_space<hbm>>
      %dma_start3A_31 = arith.constant 0 : i32
      %dma_start3A_32 = tpu.memref_slice %arg10[%mul3A_20, %dma_start3A_31] : memref<10128x128xf32, #tpu.memory_space<vmem_shared>> -> memref<624x128xf32, #tpu.memory_space<vmem_shared>>
      tpu.enqueue_dma source(%dma_start3A_32 : memref<624x128xf32, #tpu.memory_space<vmem_shared>>) target(%dma_start3A_30 : memref<624x128xf32, #tpu.memory_space<hbm>>) target_semaphore(%run_scoped3A : memref<!tpu.dma_semaphore, #tpu.memory_space<semaphore_mem>>)
      %dma_wait3A = arith.constant 0 : i32
      %dma_wait3A_33 = tpu.memref_slice %arg5[%add3A, %dma_wait3A] : memref<20000x128xf32, #tpu.memory_space<hbm>> -> memref<624x128xf32, #tpu.memory_space<hbm>>
      %dma_wait3A_34 = arith.constant 0 : i32
      %dma_wait3A_35 = tpu.memref_slice %arg10[%mul3A_20, %dma_wait3A_34] : memref<10128x128xf32, #tpu.memory_space<vmem_shared>> -> memref<624x128xf32, #tpu.memory_space<vmem_shared>>
      tpu.wait_dma2 semaphore(%run_scoped3A : memref<!tpu.dma_semaphore, #tpu.memory_space<semaphore_mem>>) src(%dma_wait3A_35 : memref<624x128xf32, #tpu.memory_space<vmem_shared>>) dst(%dma_wait3A_33 : memref<624x128xf32, #tpu.memory_space<hbm>>)
      tpu.yield
    }) : () -> ()
    %eq3A_25 = arith.constant 15 : i32
    %eq3A_26 = arith.cmpi eq, %arg1, %eq3A_25 : i32
    %convert_element_type3A_27 = arith.extui %eq3A_26 : i1 to i32
    %cond3A_28 = arith.constant 0 : i32
    %cond3A_29 = arith.cmpi ne, %convert_element_type3A_27, %cond3A_28 : i32
    scf.if %cond3A_29 {
      %mul3A_30 = arith.constant 10000 : i32
      %mul3A_31 = arith.muli %arg0, %mul3A_30 : i32
      %add3A_32 = arith.constant 9984 : i32
      %add3A_33 = arith.addi %mul3A_31, %add3A_32 : i32
      "tpu.region"() ({
        %run_scoped3A = tpu.sem_alloc : memref<!tpu.dma_semaphore, #tpu.memory_space<semaphore_mem>>
        %dma_start3A = arith.constant 0 : i32
        %dma_start3A_34 = tpu.memref_slice %arg5[%add3A_33, %dma_start3A] : memref<20000x128xf32, #tpu.memory_space<hbm>> -> memref<16x128xf32, #tpu.memory_space<hbm>>
        %dma_start3A_35 = arith.constant 9984 : i32
        %dma_start3A_36 = arith.constant 0 : i32
        %dma_start3A_37 = tpu.memref_slice %arg10[%dma_start3A_35, %dma_start3A_36] : memref<10128x128xf32, #tpu.memory_space<vmem_shared>> -> memref<16x128xf32, #tpu.memory_space<vmem_shared>>
        tpu.enqueue_dma source(%dma_start3A_37 : memref<16x128xf32, #tpu.memory_space<vmem_shared>>) target(%dma_start3A_34 : memref<16x128xf32, #tpu.memory_space<hbm>>) target_semaphore(%run_scoped3A : memref<!tpu.dma_semaphore, #tpu.memory_space<semaphore_mem>>)
        %dma_wait3A = arith.constant 0 : i32
        %dma_wait3A_38 = tpu.memref_slice %arg5[%add3A_33, %dma_wait3A] : memref<20000x128xf32, #tpu.memory_space<hbm>> -> memref<16x128xf32, #tpu.memory_space<hbm>>
        %dma_wait3A_39 = arith.constant 9984 : i32
        %dma_wait3A_40 = arith.constant 0 : i32
        %dma_wait3A_41 = tpu.memref_slice %arg10[%dma_wait3A_39, %dma_wait3A_40] : memref<10128x128xf32, #tpu.memory_space<vmem_shared>> -> memref<16x128xf32, #tpu.memory_space<vmem_shared>>
        tpu.wait_dma2 semaphore(%run_scoped3A : memref<!tpu.dma_semaphore, #tpu.memory_space<semaphore_mem>>) src(%dma_wait3A_41 : memref<16x128xf32, #tpu.memory_space<vmem_shared>>) dst(%dma_wait3A_38 : memref<16x128xf32, #tpu.memory_space<hbm>>)
        tpu.yield
      }) : () -> ()
    } else {
    }
    return
  }
}

#map = affine_map<(d0, d1) -> (0, 0)>
#map1 = affine_map<(d0, d1) -> (0)>
module attributes {stable_mosaic.version = 14 : i64} {
  func.func @k(%arg0: i32, %arg1: i32, %arg2: memref<20000x128xf32, #tpu.memory_space<hbm>>, %arg3: memref<643072xi32, #tpu.memory_space<hbm>>, %arg4: memref<10000x128xf32, #tpu.memory_space<hbm>>, %arg5: memref<20000x128xf32, #tpu.memory_space<hbm>>, %arg6: memref<256xi32, #tpu.memory_space<vmem>>, %arg7: memref<128xi32, #tpu.memory_space<vmem>>, %arg8: memref<128xi32, #tpu.memory_space<vmem>>, %arg9: memref<128x128xf32, #tpu.memory_space<vmem>>, %arg10: memref<10128x128xf32, #tpu.memory_space<vmem_shared>>, %arg11: memref<!tpu.dma_semaphore, #tpu.memory_space<semaphore_mem>>) attributes {dimension_semantics = [#tpu.dimension_semantics<core_parallel>, #tpu.dimension_semantics<subcore_parallel>], iteration_bounds = array<i64: 2, 16>, scalar_prefetch = 0 : i64, scratch_operands = 6 : i64, tpu.core_type = #tpu.core_type<sc_vector_subcore>, window_params = [{transform_indices = #map}, {transform_indices = #map1}, {transform_indices = #map}, {transform_indices = #map}]} {
    %mul3A = arith.constant 10000 : i32
    %mul3A_0 = arith.muli %arg0, %mul3A : i32
    %mul3A_1 = arith.constant 157 : i32
    %mul3A_2 = arith.muli %arg1, %mul3A_1 : i32
    %mul3A_3 = arith.constant 2 : i32
    %mul3A_4 = arith.muli %mul3A_2, %mul3A_3 : i32
    %mul3A_5 = arith.constant 128 : i32
    %mul3A_6 = arith.muli %mul3A_4, %mul3A_5 : i32
    %mul3A_7 = arith.constant 624 : i32
    %mul3A_8 = arith.muli %arg1, %mul3A_7 : i32
    %mul3A_9 = arith.constant 624 : i32
    %mul3A_10 = arith.muli %arg1, %mul3A_9 : i32
    "tpu.region"() ({
      %run_scoped3A = tpu.sem_alloc : memref<!tpu.dma_semaphore, #tpu.memory_space<semaphore_mem>>
      %dma_start3A = arith.constant 0 : i32
      %dma_start3A_30 = tpu.memref_slice %arg10[%mul3A_10, %dma_start3A] : memref<10128x128xf32, #tpu.memory_space<vmem_shared>> -> memref<624x128xf32, #tpu.memory_space<vmem_shared>>
      %dma_start3A_31 = arith.constant 0 : i32
      %dma_start3A_32 = tpu.memref_slice %arg4[%mul3A_8, %dma_start3A_31] : memref<10000x128xf32, #tpu.memory_space<hbm>> -> memref<624x128xf32, #tpu.memory_space<hbm>>
      tpu.enqueue_dma source(%dma_start3A_32 : memref<624x128xf32, #tpu.memory_space<hbm>>) target(%dma_start3A_30 : memref<624x128xf32, #tpu.memory_space<vmem_shared>>) target_semaphore(%run_scoped3A : memref<!tpu.dma_semaphore, #tpu.memory_space<semaphore_mem>>)
      %dma_wait3A = arith.constant 0 : i32
      %dma_wait3A_33 = tpu.memref_slice %arg10[%mul3A_10, %dma_wait3A] : memref<10128x128xf32, #tpu.memory_space<vmem_shared>> -> memref<624x128xf32, #tpu.memory_space<vmem_shared>>
      %dma_wait3A_34 = arith.constant 0 : i32
      %dma_wait3A_35 = tpu.memref_slice %arg4[%mul3A_8, %dma_wait3A_34] : memref<10000x128xf32, #tpu.memory_space<hbm>> -> memref<624x128xf32, #tpu.memory_space<hbm>>
      tpu.wait_dma2 semaphore(%run_scoped3A : memref<!tpu.dma_semaphore, #tpu.memory_space<semaphore_mem>>) src(%dma_wait3A_35 : memref<624x128xf32, #tpu.memory_space<hbm>>) dst(%dma_wait3A_33 : memref<624x128xf32, #tpu.memory_space<vmem_shared>>)
      tpu.yield
    }) : () -> ()
    %eq3A = arith.constant 15 : i32
    %eq3A_11 = arith.cmpi eq, %arg1, %eq3A : i32
    %convert_element_type3A = arith.extui %eq3A_11 : i1 to i32
    %cond3A = arith.constant 0 : i32
    %cond3A_12 = arith.cmpi ne, %convert_element_type3A, %cond3A : i32
    scf.if %cond3A_12 {
      "tpu.region"() ({
        %run_scoped3A = tpu.sem_alloc : memref<!tpu.dma_semaphore, #tpu.memory_space<semaphore_mem>>
        %dma_start3A = arith.constant 9984 : i32
        %dma_start3A_30 = arith.constant 0 : i32
        %dma_start3A_31 = tpu.memref_slice %arg10[%dma_start3A, %dma_start3A_30] : memref<10128x128xf32, #tpu.memory_space<vmem_shared>> -> memref<16x128xf32, #tpu.memory_space<vmem_shared>>
        %dma_start3A_32 = arith.constant 9984 : i32
        %dma_start3A_33 = arith.constant 0 : i32
        %dma_start3A_34 = tpu.memref_slice %arg4[%dma_start3A_32, %dma_start3A_33] : memref<10000x128xf32, #tpu.memory_space<hbm>> -> memref<16x128xf32, #tpu.memory_space<hbm>>
        tpu.enqueue_dma source(%dma_start3A_34 : memref<16x128xf32, #tpu.memory_space<hbm>>) target(%dma_start3A_31 : memref<16x128xf32, #tpu.memory_space<vmem_shared>>) target_semaphore(%run_scoped3A : memref<!tpu.dma_semaphore, #tpu.memory_space<semaphore_mem>>)
        %dma_wait3A = arith.constant 9984 : i32
        %dma_wait3A_35 = arith.constant 0 : i32
        %dma_wait3A_36 = tpu.memref_slice %arg10[%dma_wait3A, %dma_wait3A_35] : memref<10128x128xf32, #tpu.memory_space<vmem_shared>> -> memref<16x128xf32, #tpu.memory_space<vmem_shared>>
        %dma_wait3A_37 = arith.constant 9984 : i32
        %dma_wait3A_38 = arith.constant 0 : i32
        %dma_wait3A_39 = tpu.memref_slice %arg4[%dma_wait3A_37, %dma_wait3A_38] : memref<10000x128xf32, #tpu.memory_space<hbm>> -> memref<16x128xf32, #tpu.memory_space<hbm>>
        tpu.wait_dma2 semaphore(%run_scoped3A : memref<!tpu.dma_semaphore, #tpu.memory_space<semaphore_mem>>) src(%dma_wait3A_39 : memref<16x128xf32, #tpu.memory_space<hbm>>) dst(%dma_wait3A_36 : memref<16x128xf32, #tpu.memory_space<vmem_shared>>)
        tpu.yield
      }) : () -> ()
    } else {
    }
    %barrier3A = arith.constant 0 : index
    tpu.barrier barrier_id(%barrier3A)
    %scan3A = arith.constant 0 : i32
    %scan3A_13 = arith.constant 0 : i32
    %scan3A_14 = arith.constant 157 : i32
    %scan3A_15 = arith.addi %scan3A_13, %scan3A_14 : i32
    %scan3A_16 = arith.constant 1 : i32
    scf.for %scan3A_30 = %scan3A_13 to %scan3A_15 step %scan3A_16  : i32 {
      %mul3A_31 = arith.constant 2 : i32
      %mul3A_32 = arith.muli %scan3A_30, %mul3A_31 : i32
      %mul3A_33 = arith.constant 128 : i32
      %mul3A_34 = arith.muli %mul3A_32, %mul3A_33 : i32
      %add3A_35 = arith.addi %mul3A_6, %mul3A_34 : i32
      "tpu.region"() ({
        %run_scoped3A = tpu.sem_alloc : memref<!tpu.dma_semaphore, #tpu.memory_space<semaphore_mem>>
        %dma_start3A_166 = tpu.memref_slice %arg3[%add3A_35] : memref<643072xi32, #tpu.memory_space<hbm>> -> memref<256xi32, #tpu.memory_space<hbm>>
        %dma_start3A_167 = tpu.memref_slice %arg3[%add3A_35] : memref<643072xi32, #tpu.memory_space<hbm>> -> memref<256xi32, #tpu.memory_space<hbm>>
        tpu.enqueue_dma source(%dma_start3A_167 : memref<256xi32, #tpu.memory_space<hbm>>) target(%arg6 : memref<256xi32, #tpu.memory_space<vmem>>) target_semaphore(%run_scoped3A : memref<!tpu.dma_semaphore, #tpu.memory_space<semaphore_mem>>)
        %dma_wait3A_168 = tpu.memref_slice %arg3[%add3A_35] : memref<643072xi32, #tpu.memory_space<hbm>> -> memref<256xi32, #tpu.memory_space<hbm>>
        %dma_wait3A_169 = tpu.memref_slice %arg3[%add3A_35] : memref<643072xi32, #tpu.memory_space<hbm>> -> memref<256xi32, #tpu.memory_space<hbm>>
        tpu.wait_dma2 semaphore(%run_scoped3A : memref<!tpu.dma_semaphore, #tpu.memory_space<semaphore_mem>>) src(%dma_wait3A_169 : memref<256xi32, #tpu.memory_space<hbm>>) dst(%arg6 : memref<256xi32, #tpu.memory_space<vmem>>)
        tpu.yield
      }) : () -> ()
      %get3A = arith.constant 0 : index
      %get3A_36 = tpu.vector_load %arg6[%get3A] {strides = array<i32>} : memref<256xi32, #tpu.memory_space<vmem>>, vector<16xi32>,
      %get3A_37 = vector.shape_cast %get3A_36 : vector<16xi32> to vector<16xi32>
      %add3A_38 = vector.broadcast %mul3A_0 : i32 to vector<16xi32>
      %add3A_39 = arith.addi %get3A_37, %add3A_38 : vector<16xi32>
      %swap3A = arith.constant 0 : index
      %swap3A_40 = tpu.vector_load %arg7[%swap3A] {strides = array<i32>} : memref<128xi32, #tpu.memory_space<vmem>>, vector<16xi32>,
      %swap3A_41 = vector.shape_cast %swap3A_40 : vector<16xi32> to vector<16xi32>
      %swap3A_42 = vector.shape_cast %add3A_39 : vector<16xi32> to vector<16xi32>
      tpu.vector_store %arg7[%swap3A], %swap3A_42 {strides = array<i32>} : memref<128xi32, #tpu.memory_space<vmem>>, vector<16xi32>,
      %get3A_43 = arith.constant 128 : index
      %get3A_44 = tpu.vector_load %arg6[%get3A_43] {strides = array<i32>} : memref<256xi32, #tpu.memory_space<vmem>>, vector<16xi32>,
      %get3A_45 = vector.shape_cast %get3A_44 : vector<16xi32> to vector<16xi32>
      %swap3A_46 = arith.constant 0 : index
      %swap3A_47 = tpu.vector_load %arg8[%swap3A_46] {strides = array<i32>} : memref<128xi32, #tpu.memory_space<vmem>>, vector<16xi32>,
      %swap3A_48 = vector.shape_cast %swap3A_47 : vector<16xi32> to vector<16xi32>
      %swap3A_49 = vector.shape_cast %get3A_45 : vector<16xi32> to vector<16xi32>
      tpu.vector_store %arg8[%swap3A_46], %swap3A_49 {strides = array<i32>} : memref<128xi32, #tpu.memory_space<vmem>>, vector<16xi32>,
      %get3A_50 = arith.constant 16 : index
      %get3A_51 = tpu.vector_load %arg6[%get3A_50] {strides = array<i32>} : memref<256xi32, #tpu.memory_space<vmem>>, vector<16xi32>,
      %get3A_52 = vector.shape_cast %get3A_51 : vector<16xi32> to vector<16xi32>
      %add3A_53 = vector.broadcast %mul3A_0 : i32 to vector<16xi32>
      %add3A_54 = arith.addi %get3A_52, %add3A_53 : vector<16xi32>
      %swap3A_55 = arith.constant 16 : index
      %swap3A_56 = tpu.vector_load %arg7[%swap3A_55] {strides = array<i32>} : memref<128xi32, #tpu.memory_space<vmem>>, vector<16xi32>,
      %swap3A_57 = vector.shape_cast %swap3A_56 : vector<16xi32> to vector<16xi32>
      %swap3A_58 = vector.shape_cast %add3A_54 : vector<16xi32> to vector<16xi32>
      tpu.vector_store %arg7[%swap3A_55], %swap3A_58 {strides = array<i32>} : memref<128xi32, #tpu.memory_space<vmem>>, vector<16xi32>,
      %get3A_59 = arith.constant 144 : index
      %get3A_60 = tpu.vector_load %arg6[%get3A_59] {strides = array<i32>} : memref<256xi32, #tpu.memory_space<vmem>>, vector<16xi32>,
      %get3A_61 = vector.shape_cast %get3A_60 : vector<16xi32> to vector<16xi32>
      %swap3A_62 = arith.constant 16 : index
      %swap3A_63 = tpu.vector_load %arg8[%swap3A_62] {strides = array<i32>} : memref<128xi32, #tpu.memory_space<vmem>>, vector<16xi32>,
      %swap3A_64 = vector.shape_cast %swap3A_63 : vector<16xi32> to vector<16xi32>
      %swap3A_65 = vector.shape_cast %get3A_61 : vector<16xi32> to vector<16xi32>
      tpu.vector_store %arg8[%swap3A_62], %swap3A_65 {strides = array<i32>} : memref<128xi32, #tpu.memory_space<vmem>>, vector<16xi32>,
      %get3A_66 = arith.constant 32 : index
      %get3A_67 = tpu.vector_load %arg6[%get3A_66] {strides = array<i32>} : memref<256xi32, #tpu.memory_space<vmem>>, vector<16xi32>,
      %get3A_68 = vector.shape_cast %get3A_67 : vector<16xi32> to vector<16xi32>
      %add3A_69 = vector.broadcast %mul3A_0 : i32 to vector<16xi32>
      %add3A_70 = arith.addi %get3A_68, %add3A_69 : vector<16xi32>
      %swap3A_71 = arith.constant 32 : index
      %swap3A_72 = tpu.vector_load %arg7[%swap3A_71] {strides = array<i32>} : memref<128xi32, #tpu.memory_space<vmem>>, vector<16xi32>,
      %swap3A_73 = vector.shape_cast %swap3A_72 : vector<16xi32> to vector<16xi32>
      %swap3A_74 = vector.shape_cast %add3A_70 : vector<16xi32> to vector<16xi32>
      tpu.vector_store %arg7[%swap3A_71], %swap3A_74 {strides = array<i32>} : memref<128xi32, #tpu.memory_space<vmem>>, vector<16xi32>,
      %get3A_75 = arith.constant 160 : index
      %get3A_76 = tpu.vector_load %arg6[%get3A_75] {strides = array<i32>} : memref<256xi32, #tpu.memory_space<vmem>>, vector<16xi32>,
      %get3A_77 = vector.shape_cast %get3A_76 : vector<16xi32> to vector<16xi32>
      %swap3A_78 = arith.constant 32 : index
      %swap3A_79 = tpu.vector_load %arg8[%swap3A_78] {strides = array<i32>} : memref<128xi32, #tpu.memory_space<vmem>>, vector<16xi32>,
      %swap3A_80 = vector.shape_cast %swap3A_79 : vector<16xi32> to vector<16xi32>
      %swap3A_81 = vector.shape_cast %get3A_77 : vector<16xi32> to vector<16xi32>
      tpu.vector_store %arg8[%swap3A_78], %swap3A_81 {strides = array<i32>} : memref<128xi32, #tpu.memory_space<vmem>>, vector<16xi32>,
      %get3A_82 = arith.constant 48 : index
      %get3A_83 = tpu.vector_load %arg6[%get3A_82] {strides = array<i32>} : memref<256xi32, #tpu.memory_space<vmem>>, vector<16xi32>,
      %get3A_84 = vector.shape_cast %get3A_83 : vector<16xi32> to vector<16xi32>
      %add3A_85 = vector.broadcast %mul3A_0 : i32 to vector<16xi32>
      %add3A_86 = arith.addi %get3A_84, %add3A_85 : vector<16xi32>
      %swap3A_87 = arith.constant 48 : index
      %swap3A_88 = tpu.vector_load %arg7[%swap3A_87] {strides = array<i32>} : memref<128xi32, #tpu.memory_space<vmem>>, vector<16xi32>,
      %swap3A_89 = vector.shape_cast %swap3A_88 : vector<16xi32> to vector<16xi32>
      %swap3A_90 = vector.shape_cast %add3A_86 : vector<16xi32> to vector<16xi32>
      tpu.vector_store %arg7[%swap3A_87], %swap3A_90 {strides = array<i32>} : memref<128xi32, #tpu.memory_space<vmem>>, vector<16xi32>,
      %get3A_91 = arith.constant 176 : index
      %get3A_92 = tpu.vector_load %arg6[%get3A_91] {strides = array<i32>} : memref<256xi32, #tpu.memory_space<vmem>>, vector<16xi32>,
      %get3A_93 = vector.shape_cast %get3A_92 : vector<16xi32> to vector<16xi32>
      %swap3A_94 = arith.constant 48 : index
      %swap3A_95 = tpu.vector_load %arg8[%swap3A_94] {strides = array<i32>} : memref<128xi32, #tpu.memory_space<vmem>>, vector<16xi32>,
      %swap3A_96 = vector.shape_cast %swap3A_95 : vector<16xi32> to vector<16xi32>
      %swap3A_97 = vector.shape_cast %get3A_93 : vector<16xi32> to vector<16xi32>
      tpu.vector_store %arg8[%swap3A_94], %swap3A_97 {strides = array<i32>} : memref<128xi32, #tpu.memory_space<vmem>>, vector<16xi32>,
      %get3A_98 = arith.constant 64 : index
      %get3A_99 = tpu.vector_load %arg6[%get3A_98] {strides = array<i32>} : memref<256xi32, #tpu.memory_space<vmem>>, vector<16xi32>,
      %get3A_100 = vector.shape_cast %get3A_99 : vector<16xi32> to vector<16xi32>
      %add3A_101 = vector.broadcast %mul3A_0 : i32 to vector<16xi32>
      %add3A_102 = arith.addi %get3A_100, %add3A_101 : vector<16xi32>
      %swap3A_103 = arith.constant 64 : index
      %swap3A_104 = tpu.vector_load %arg7[%swap3A_103] {strides = array<i32>} : memref<128xi32, #tpu.memory_space<vmem>>, vector<16xi32>,
      %swap3A_105 = vector.shape_cast %swap3A_104 : vector<16xi32> to vector<16xi32>
      %swap3A_106 = vector.shape_cast %add3A_102 : vector<16xi32> to vector<16xi32>
      tpu.vector_store %arg7[%swap3A_103], %swap3A_106 {strides = array<i32>} : memref<128xi32, #tpu.memory_space<vmem>>, vector<16xi32>,
      %get3A_107 = arith.constant 192 : index
      %get3A_108 = tpu.vector_load %arg6[%get3A_107] {strides = array<i32>} : memref<256xi32, #tpu.memory_space<vmem>>, vector<16xi32>,
      %get3A_109 = vector.shape_cast %get3A_108 : vector<16xi32> to vector<16xi32>
      %swap3A_110 = arith.constant 64 : index
      %swap3A_111 = tpu.vector_load %arg8[%swap3A_110] {strides = array<i32>} : memref<128xi32, #tpu.memory_space<vmem>>, vector<16xi32>,
      %swap3A_112 = vector.shape_cast %swap3A_111 : vector<16xi32> to vector<16xi32>
      %swap3A_113 = vector.shape_cast %get3A_109 : vector<16xi32> to vector<16xi32>
      tpu.vector_store %arg8[%swap3A_110], %swap3A_113 {strides = array<i32>} : memref<128xi32, #tpu.memory_space<vmem>>, vector<16xi32>,
      %get3A_114 = arith.constant 80 : index
      %get3A_115 = tpu.vector_load %arg6[%get3A_114] {strides = array<i32>} : memref<256xi32, #tpu.memory_space<vmem>>, vector<16xi32>,
      %get3A_116 = vector.shape_cast %get3A_115 : vector<16xi32> to vector<16xi32>
      %add3A_117 = vector.broadcast %mul3A_0 : i32 to vector<16xi32>
      %add3A_118 = arith.addi %get3A_116, %add3A_117 : vector<16xi32>
      %swap3A_119 = arith.constant 80 : index
      %swap3A_120 = tpu.vector_load %arg7[%swap3A_119] {strides = array<i32>} : memref<128xi32, #tpu.memory_space<vmem>>, vector<16xi32>,
      %swap3A_121 = vector.shape_cast %swap3A_120 : vector<16xi32> to vector<16xi32>
      %swap3A_122 = vector.shape_cast %add3A_118 : vector<16xi32> to vector<16xi32>
      tpu.vector_store %arg7[%swap3A_119], %swap3A_122 {strides = array<i32>} : memref<128xi32, #tpu.memory_space<vmem>>, vector<16xi32>,
      %get3A_123 = arith.constant 208 : index
      %get3A_124 = tpu.vector_load %arg6[%get3A_123] {strides = array<i32>} : memref<256xi32, #tpu.memory_space<vmem>>, vector<16xi32>,
      %get3A_125 = vector.shape_cast %get3A_124 : vector<16xi32> to vector<16xi32>
      %swap3A_126 = arith.constant 80 : index
      %swap3A_127 = tpu.vector_load %arg8[%swap3A_126] {strides = array<i32>} : memref<128xi32, #tpu.memory_space<vmem>>, vector<16xi32>,
      %swap3A_128 = vector.shape_cast %swap3A_127 : vector<16xi32> to vector<16xi32>
      %swap3A_129 = vector.shape_cast %get3A_125 : vector<16xi32> to vector<16xi32>
      tpu.vector_store %arg8[%swap3A_126], %swap3A_129 {strides = array<i32>} : memref<128xi32, #tpu.memory_space<vmem>>, vector<16xi32>,
      %get3A_130 = arith.constant 96 : index
      %get3A_131 = tpu.vector_load %arg6[%get3A_130] {strides = array<i32>} : memref<256xi32, #tpu.memory_space<vmem>>, vector<16xi32>,
      %get3A_132 = vector.shape_cast %get3A_131 : vector<16xi32> to vector<16xi32>
      %add3A_133 = vector.broadcast %mul3A_0 : i32 to vector<16xi32>
      %add3A_134 = arith.addi %get3A_132, %add3A_133 : vector<16xi32>
      %swap3A_135 = arith.constant 96 : index
      %swap3A_136 = tpu.vector_load %arg7[%swap3A_135] {strides = array<i32>} : memref<128xi32, #tpu.memory_space<vmem>>, vector<16xi32>,
      %swap3A_137 = vector.shape_cast %swap3A_136 : vector<16xi32> to vector<16xi32>
      %swap3A_138 = vector.shape_cast %add3A_134 : vector<16xi32> to vector<16xi32>
      tpu.vector_store %arg7[%swap3A_135], %swap3A_138 {strides = array<i32>} : memref<128xi32, #tpu.memory_space<vmem>>, vector<16xi32>,
      %get3A_139 = arith.constant 224 : index
      %get3A_140 = tpu.vector_load %arg6[%get3A_139] {strides = array<i32>} : memref<256xi32, #tpu.memory_space<vmem>>, vector<16xi32>,
      %get3A_141 = vector.shape_cast %get3A_140 : vector<16xi32> to vector<16xi32>
      %swap3A_142 = arith.constant 96 : index
      %swap3A_143 = tpu.vector_load %arg8[%swap3A_142] {strides = array<i32>} : memref<128xi32, #tpu.memory_space<vmem>>, vector<16xi32>,
      %swap3A_144 = vector.shape_cast %swap3A_143 : vector<16xi32> to vector<16xi32>
      %swap3A_145 = vector.shape_cast %get3A_141 : vector<16xi32> to vector<16xi32>
      tpu.vector_store %arg8[%swap3A_142], %swap3A_145 {strides = array<i32>} : memref<128xi32, #tpu.memory_space<vmem>>, vector<16xi32>,
      %get3A_146 = arith.constant 112 : index
      %get3A_147 = tpu.vector_load %arg6[%get3A_146] {strides = array<i32>} : memref<256xi32, #tpu.memory_space<vmem>>, vector<16xi32>,
      %get3A_148 = vector.shape_cast %get3A_147 : vector<16xi32> to vector<16xi32>
      %add3A_149 = vector.broadcast %mul3A_0 : i32 to vector<16xi32>
      %add3A_150 = arith.addi %get3A_148, %add3A_149 : vector<16xi32>
      %swap3A_151 = arith.constant 112 : index
      %swap3A_152 = tpu.vector_load %arg7[%swap3A_151] {strides = array<i32>} : memref<128xi32, #tpu.memory_space<vmem>>, vector<16xi32>,
      %swap3A_153 = vector.shape_cast %swap3A_152 : vector<16xi32> to vector<16xi32>
      %swap3A_154 = vector.shape_cast %add3A_150 : vector<16xi32> to vector<16xi32>
      tpu.vector_store %arg7[%swap3A_151], %swap3A_154 {strides = array<i32>} : memref<128xi32, #tpu.memory_space<vmem>>, vector<16xi32>,
      %get3A_155 = arith.constant 240 : index
      %get3A_156 = tpu.vector_load %arg6[%get3A_155] {strides = array<i32>} : memref<256xi32, #tpu.memory_space<vmem>>, vector<16xi32>,
      %get3A_157 = vector.shape_cast %get3A_156 : vector<16xi32> to vector<16xi32>
      %swap3A_158 = arith.constant 112 : index
      %swap3A_159 = tpu.vector_load %arg8[%swap3A_158] {strides = array<i32>} : memref<128xi32, #tpu.memory_space<vmem>>, vector<16xi32>,
      %swap3A_160 = vector.shape_cast %swap3A_159 : vector<16xi32> to vector<16xi32>
      %swap3A_161 = vector.shape_cast %get3A_157 : vector<16xi32> to vector<16xi32>
      tpu.vector_store %arg8[%swap3A_158], %swap3A_161 {strides = array<i32>} : memref<128xi32, #tpu.memory_space<vmem>>, vector<16xi32>,
      %dma_start3A = arith.constant 0 : i32
      %dma_start3A_162 = arith.constant 0 : i32
      %dma_start3A_163 = tpu.memref_slice %arg2[%dma_start3A, %dma_start3A_162] : memref<20000x128xf32, #tpu.memory_space<hbm>> -> memref<20000x128xf32, #tpu.memory_space<hbm>>
      tpu.enqueue_indirect_dma source(%dma_start3A_163 : memref<20000x128xf32, #tpu.memory_space<hbm>>) target(%arg9 : memref<128x128xf32, #tpu.memory_space<vmem>>) offsets(%arg7 : memref<128xi32, #tpu.memory_space<vmem>>) semaphore(%arg11 : memref<!tpu.dma_semaphore, #tpu.memory_space<semaphore_mem>>)
      %dma_wait3A = arith.constant 0 : i32
      %dma_wait3A_164 = arith.constant 0 : i32
      %dma_wait3A_165 = tpu.memref_slice %arg2[%dma_wait3A, %dma_wait3A_164] : memref<20000x128xf32, #tpu.memory_space<hbm>> -> memref<20000x128xf32, #tpu.memory_space<hbm>>
      tpu.wait_indirect_dma semaphore(%arg11 : memref<!tpu.dma_semaphore, #tpu.memory_space<semaphore_mem>>) src(%dma_wait3A_165 : memref<20000x128xf32, #tpu.memory_space<hbm>>) dst(%arg9 : memref<128x128xf32, #tpu.memory_space<vmem>>)
      "tpu.region"() ({
        %run_scoped3A = tpu.sem_alloc : memref<!tpu.dma_semaphore, #tpu.memory_space<semaphore_mem>>
        %dma_start3A_166 = arith.constant 0 : i32
        %dma_start3A_167 = arith.constant 0 : i32
        %dma_start3A_168 = tpu.memref_slice %arg10[%dma_start3A_166, %dma_start3A_167] : memref<10128x128xf32, #tpu.memory_space<vmem_shared>> -> memref<10128x128xf32, #tpu.memory_space<vmem_shared>>
        tpu.enqueue_indirect_dma source(%arg9 : memref<128x128xf32, #tpu.memory_space<vmem>>) target(%dma_start3A_168 : memref<10128x128xf32, #tpu.memory_space<vmem_shared>>) offsets(%arg8 : memref<128xi32, #tpu.memory_space<vmem>>) semaphore(%run_scoped3A : memref<!tpu.dma_semaphore, #tpu.memory_space<semaphore_mem>>) {add = true}
        %dma_wait3A_169 = arith.constant 0 : i32
        %dma_wait3A_170 = arith.constant 0 : i32
        %dma_wait3A_171 = tpu.memref_slice %arg10[%dma_wait3A_169, %dma_wait3A_170] : memref<10128x128xf32, #tpu.memory_space<vmem_shared>> -> memref<10128x128xf32, #tpu.memory_space<vmem_shared>>
        tpu.wait_indirect_dma semaphore(%run_scoped3A : memref<!tpu.dma_semaphore, #tpu.memory_space<semaphore_mem>>) src(%arg9 : memref<128x128xf32, #tpu.memory_space<vmem>>) dst(%dma_wait3A_171 : memref<10128x128xf32, #tpu.memory_space<vmem_shared>>)
        tpu.yield
      }) : () -> ()
    }
    %scan3A_17 = arith.constant 157 : i32
    %barrier3A_18 = arith.constant 0 : index
    tpu.barrier barrier_id(%barrier3A_18)
    %mul3A_19 = arith.constant 624 : i32
    %mul3A_20 = arith.muli %arg1, %mul3A_19 : i32
    %mul3A_21 = arith.constant 10000 : i32
    %mul3A_22 = arith.muli %arg0, %mul3A_21 : i32
    %mul3A_23 = arith.constant 624 : i32
    %mul3A_24 = arith.muli %arg1, %mul3A_23 : i32
    %add3A = arith.addi %mul3A_22, %mul3A_24 : i32
    "tpu.region"() ({
      %run_scoped3A = tpu.sem_alloc : memref<!tpu.dma_semaphore, #tpu.memory_space<semaphore_mem>>
      %dma_start3A = arith.constant 0 : i32
      %dma_start3A_30 = tpu.memref_slice %arg5[%add3A, %dma_start3A] : memref<20000x128xf32, #tpu.memory_space<hbm>> -> memref<624x128xf32, #tpu.memory_space<hbm>>
      %dma_start3A_31 = arith.constant 0 : i32
      %dma_start3A_32 = tpu.memref_slice %arg10[%mul3A_20, %dma_start3A_31] : memref<10128x128xf32, #tpu.memory_space<vmem_shared>> -> memref<624x128xf32, #tpu.memory_space<vmem_shared>>
      tpu.enqueue_dma source(%dma_start3A_32 : memref<624x128xf32, #tpu.memory_space<vmem_shared>>) target(%dma_start3A_30 : memref<624x128xf32, #tpu.memory_space<hbm>>) target_semaphore(%run_scoped3A : memref<!tpu.dma_semaphore, #tpu.memory_space<semaphore_mem>>)
      %dma_wait3A = arith.constant 0 : i32
      %dma_wait3A_33 = tpu.memref_slice %arg5[%add3A, %dma_wait3A] : memref<20000x128xf32, #tpu.memory_space<hbm>> -> memref<624x128xf32, #tpu.memory_space<hbm>>
      %dma_wait3A_34 = arith.constant 0 : i32
      %dma_wait3A_35 = tpu.memref_slice %arg10[%mul3A_20, %dma_wait3A_34] : memref<10128x128xf32, #tpu.memory_space<vmem_shared>> -> memref<624x128xf32, #tpu.memory_space<vmem_shared>>
      tpu.wait_dma2 semaphore(%run_scoped3A : memref<!tpu.dma_semaphore, #tpu.memory_space<semaphore_mem>>) src(%dma_wait3A_35 : memref<624x128xf32, #tpu.memory_space<vmem_shared>>) dst(%dma_wait3A_33 : memref<624x128xf32, #tpu.memory_space<hbm>>)
      tpu.yield
    }) : () -> ()
    %eq3A_25 = arith.constant 15 : i32
    %eq3A_26 = arith.cmpi eq, %arg1, %eq3A_25 : i32
    %convert_element_type3A_27 = arith.extui %eq3A_26 : i1 to i32
    %cond3A_28 = arith.constant 0 : i32
    %cond3A_29 = arith.cmpi ne, %convert_element_type3A_27, %cond3A_28 : i32
    scf.if %cond3A_29 {
      %mul3A_30 = arith.constant 10000 : i32
      %mul3A_31 = arith.muli %arg0, %mul3A_30 : i32
      %add3A_32 = arith.constant 9984 : i32
      %add3A_33 = arith.addi %mul3A_31, %add3A_32 : i32
      "tpu.region"() ({
        %run_scoped3A = tpu.sem_alloc : memref<!tpu.dma_semaphore, #tpu.memory_space<semaphore_mem>>
        %dma_start3A = arith.constant 0 : i32
        %dma_start3A_34 = tpu.memref_slice %arg5[%add3A_33, %dma_start3A] : memref<20000x128xf32, #tpu.memory_space<hbm>> -> memref<16x128xf32, #tpu.memory_space<hbm>>
        %dma_start3A_35 = arith.constant 9984 : i32
        %dma_start3A_36 = arith.constant 0 : i32
        %dma_start3A_37 = tpu.memref_slice %arg10[%dma_start3A_35, %dma_start3A_36] : memref<10128x128xf32, #tpu.memory_space<vmem_shared>> -> memref<16x128xf32, #tpu.memory_space<vmem_shared>>
        tpu.enqueue_dma source(%dma_start3A_37 : memref<16x128xf32, #tpu.memory_space<vmem_shared>>) target(%dma_start3A_34 : memref<16x128xf32, #tpu.memory_space<hbm>>) target_semaphore(%run_scoped3A : memref<!tpu.dma_semaphore, #tpu.memory_space<semaphore_mem>>)
        %dma_wait3A = arith.constant 0 : i32
        %dma_wait3A_38 = tpu.memref_slice %arg5[%add3A_33, %dma_wait3A] : memref<20000x128xf32, #tpu.memory_space<hbm>> -> memref<16x128xf32, #tpu.memory_space<hbm>>
        %dma_wait3A_39 = arith.constant 9984 : i32
        %dma_wait3A_40 = arith.constant 0 : i32
        %dma_wait3A_41 = tpu.memref_slice %arg10[%dma_wait3A_39, %dma_wait3A_40] : memref<10128x128xf32, #tpu.memory_space<vmem_shared>> -> memref<16x128xf32, #tpu.memory_space<vmem_shared>>
        tpu.wait_dma2 semaphore(%run_scoped3A : memref<!tpu.dma_semaphore, #tpu.memory_space<semaphore_mem>>) src(%dma_wait3A_41 : memref<16x128xf32, #tpu.memory_space<vmem_shared>>) dst(%dma_wait3A_38 : memref<16x128xf32, #tpu.memory_space<hbm>>)
        tpu.yield
      }) : () -> ()
    } else {
    }
    return
  }
}

#map = affine_map<(d0, d1) -> (0, 0)>
#map1 = affine_map<(d0, d1) -> (0)>
module attributes {stable_mosaic.version = 14 : i64} {
  func.func @k(%arg0: i32, %arg1: i32, %arg2: memref<20000x128xf32, #tpu.memory_space<hbm>>, %arg3: memref<643072xi32, #tpu.memory_space<hbm>>, %arg4: memref<10000x128xf32, #tpu.memory_space<hbm>>, %arg5: memref<20000x128xf32, #tpu.memory_space<hbm>>, %arg6: memref<256xi32, #tpu.memory_space<vmem>>, %arg7: memref<128xi32, #tpu.memory_space<vmem>>, %arg8: memref<128xi32, #tpu.memory_space<vmem>>, %arg9: memref<128x128xf32, #tpu.memory_space<vmem>>, %arg10: memref<10128x128xf32, #tpu.memory_space<vmem_shared>>, %arg11: memref<!tpu.dma_semaphore, #tpu.memory_space<semaphore_mem>>) attributes {dimension_semantics = [#tpu.dimension_semantics<core_parallel>, #tpu.dimension_semantics<subcore_parallel>], iteration_bounds = array<i64: 2, 16>, scalar_prefetch = 0 : i64, scratch_operands = 6 : i64, tpu.core_type = #tpu.core_type<sc_vector_subcore>, window_params = [{transform_indices = #map}, {transform_indices = #map1}, {transform_indices = #map}, {transform_indices = #map}]} {
    %mul3A = arith.constant 10000 : i32
    %mul3A_0 = arith.muli %arg0, %mul3A : i32
    %mul3A_1 = arith.constant 157 : i32
    %mul3A_2 = arith.muli %arg1, %mul3A_1 : i32
    %mul3A_3 = arith.constant 2 : i32
    %mul3A_4 = arith.muli %mul3A_2, %mul3A_3 : i32
    %mul3A_5 = arith.constant 128 : i32
    %mul3A_6 = arith.muli %mul3A_4, %mul3A_5 : i32
    %mul3A_7 = arith.constant 624 : i32
    %mul3A_8 = arith.muli %arg1, %mul3A_7 : i32
    %mul3A_9 = arith.constant 624 : i32
    %mul3A_10 = arith.muli %arg1, %mul3A_9 : i32
    "tpu.region"() ({
      %run_scoped3A = tpu.sem_alloc : memref<!tpu.dma_semaphore, #tpu.memory_space<semaphore_mem>>
      %dma_start3A = arith.constant 0 : i32
      %dma_start3A_30 = tpu.memref_slice %arg10[%mul3A_10, %dma_start3A] : memref<10128x128xf32, #tpu.memory_space<vmem_shared>> -> memref<624x128xf32, #tpu.memory_space<vmem_shared>>
      %dma_start3A_31 = arith.constant 0 : i32
      %dma_start3A_32 = tpu.memref_slice %arg4[%mul3A_8, %dma_start3A_31] : memref<10000x128xf32, #tpu.memory_space<hbm>> -> memref<624x128xf32, #tpu.memory_space<hbm>>
      tpu.enqueue_dma source(%dma_start3A_32 : memref<624x128xf32, #tpu.memory_space<hbm>>) target(%dma_start3A_30 : memref<624x128xf32, #tpu.memory_space<vmem_shared>>) target_semaphore(%run_scoped3A : memref<!tpu.dma_semaphore, #tpu.memory_space<semaphore_mem>>)
      %dma_wait3A = arith.constant 0 : i32
      %dma_wait3A_33 = tpu.memref_slice %arg10[%mul3A_10, %dma_wait3A] : memref<10128x128xf32, #tpu.memory_space<vmem_shared>> -> memref<624x128xf32, #tpu.memory_space<vmem_shared>>
      %dma_wait3A_34 = arith.constant 0 : i32
      %dma_wait3A_35 = tpu.memref_slice %arg4[%mul3A_8, %dma_wait3A_34] : memref<10000x128xf32, #tpu.memory_space<hbm>> -> memref<624x128xf32, #tpu.memory_space<hbm>>
      tpu.wait_dma2 semaphore(%run_scoped3A : memref<!tpu.dma_semaphore, #tpu.memory_space<semaphore_mem>>) src(%dma_wait3A_35 : memref<624x128xf32, #tpu.memory_space<hbm>>) dst(%dma_wait3A_33 : memref<624x128xf32, #tpu.memory_space<vmem_shared>>)
      tpu.yield
    }) : () -> ()
    %eq3A = arith.constant 15 : i32
    %eq3A_11 = arith.cmpi eq, %arg1, %eq3A : i32
    %convert_element_type3A = arith.extui %eq3A_11 : i1 to i32
    %cond3A = arith.constant 0 : i32
    %cond3A_12 = arith.cmpi ne, %convert_element_type3A, %cond3A : i32
    scf.if %cond3A_12 {
      "tpu.region"() ({
        %run_scoped3A = tpu.sem_alloc : memref<!tpu.dma_semaphore, #tpu.memory_space<semaphore_mem>>
        %dma_start3A = arith.constant 9984 : i32
        %dma_start3A_30 = arith.constant 0 : i32
        %dma_start3A_31 = tpu.memref_slice %arg10[%dma_start3A, %dma_start3A_30] : memref<10128x128xf32, #tpu.memory_space<vmem_shared>> -> memref<16x128xf32, #tpu.memory_space<vmem_shared>>
        %dma_start3A_32 = arith.constant 9984 : i32
        %dma_start3A_33 = arith.constant 0 : i32
        %dma_start3A_34 = tpu.memref_slice %arg4[%dma_start3A_32, %dma_start3A_33] : memref<10000x128xf32, #tpu.memory_space<hbm>> -> memref<16x128xf32, #tpu.memory_space<hbm>>
        tpu.enqueue_dma source(%dma_start3A_34 : memref<16x128xf32, #tpu.memory_space<hbm>>) target(%dma_start3A_31 : memref<16x128xf32, #tpu.memory_space<vmem_shared>>) target_semaphore(%run_scoped3A : memref<!tpu.dma_semaphore, #tpu.memory_space<semaphore_mem>>)
        %dma_wait3A = arith.constant 9984 : i32
        %dma_wait3A_35 = arith.constant 0 : i32
        %dma_wait3A_36 = tpu.memref_slice %arg10[%dma_wait3A, %dma_wait3A_35] : memref<10128x128xf32, #tpu.memory_space<vmem_shared>> -> memref<16x128xf32, #tpu.memory_space<vmem_shared>>
        %dma_wait3A_37 = arith.constant 9984 : i32
        %dma_wait3A_38 = arith.constant 0 : i32
        %dma_wait3A_39 = tpu.memref_slice %arg4[%dma_wait3A_37, %dma_wait3A_38] : memref<10000x128xf32, #tpu.memory_space<hbm>> -> memref<16x128xf32, #tpu.memory_space<hbm>>
        tpu.wait_dma2 semaphore(%run_scoped3A : memref<!tpu.dma_semaphore, #tpu.memory_space<semaphore_mem>>) src(%dma_wait3A_39 : memref<16x128xf32, #tpu.memory_space<hbm>>) dst(%dma_wait3A_36 : memref<16x128xf32, #tpu.memory_space<vmem_shared>>)
        tpu.yield
      }) : () -> ()
    } else {
    }
    %barrier3A = arith.constant 0 : index
    tpu.barrier barrier_id(%barrier3A)
    %scan3A = arith.constant 0 : i32
    %scan3A_13 = arith.constant 0 : i32
    %scan3A_14 = arith.constant 157 : i32
    %scan3A_15 = arith.addi %scan3A_13, %scan3A_14 : i32
    %scan3A_16 = arith.constant 1 : i32
    scf.for %scan3A_30 = %scan3A_13 to %scan3A_15 step %scan3A_16  : i32 {
      %mul3A_31 = arith.constant 2 : i32
      %mul3A_32 = arith.muli %scan3A_30, %mul3A_31 : i32
      %mul3A_33 = arith.constant 128 : i32
      %mul3A_34 = arith.muli %mul3A_32, %mul3A_33 : i32
      %add3A_35 = arith.addi %mul3A_6, %mul3A_34 : i32
      "tpu.region"() ({
        %run_scoped3A = tpu.sem_alloc : memref<!tpu.dma_semaphore, #tpu.memory_space<semaphore_mem>>
        %dma_start3A_166 = tpu.memref_slice %arg3[%add3A_35] : memref<643072xi32, #tpu.memory_space<hbm>> -> memref<256xi32, #tpu.memory_space<hbm>>
        %dma_start3A_167 = tpu.memref_slice %arg3[%add3A_35] : memref<643072xi32, #tpu.memory_space<hbm>> -> memref<256xi32, #tpu.memory_space<hbm>>
        tpu.enqueue_dma source(%dma_start3A_167 : memref<256xi32, #tpu.memory_space<hbm>>) target(%arg6 : memref<256xi32, #tpu.memory_space<vmem>>) target_semaphore(%run_scoped3A : memref<!tpu.dma_semaphore, #tpu.memory_space<semaphore_mem>>)
        %dma_wait3A_168 = tpu.memref_slice %arg3[%add3A_35] : memref<643072xi32, #tpu.memory_space<hbm>> -> memref<256xi32, #tpu.memory_space<hbm>>
        %dma_wait3A_169 = tpu.memref_slice %arg3[%add3A_35] : memref<643072xi32, #tpu.memory_space<hbm>> -> memref<256xi32, #tpu.memory_space<hbm>>
        tpu.wait_dma2 semaphore(%run_scoped3A : memref<!tpu.dma_semaphore, #tpu.memory_space<semaphore_mem>>) src(%dma_wait3A_169 : memref<256xi32, #tpu.memory_space<hbm>>) dst(%arg6 : memref<256xi32, #tpu.memory_space<vmem>>)
        tpu.yield
      }) : () -> ()
      %get3A = arith.constant 0 : index
      %get3A_36 = tpu.vector_load %arg6[%get3A] {strides = array<i32>} : memref<256xi32, #tpu.memory_space<vmem>>, vector<16xi32>,
      %get3A_37 = vector.shape_cast %get3A_36 : vector<16xi32> to vector<16xi32>
      %add3A_38 = vector.broadcast %mul3A_0 : i32 to vector<16xi32>
      %add3A_39 = arith.addi %get3A_37, %add3A_38 : vector<16xi32>
      %swap3A = arith.constant 0 : index
      %swap3A_40 = tpu.vector_load %arg7[%swap3A] {strides = array<i32>} : memref<128xi32, #tpu.memory_space<vmem>>, vector<16xi32>,
      %swap3A_41 = vector.shape_cast %swap3A_40 : vector<16xi32> to vector<16xi32>
      %swap3A_42 = vector.shape_cast %add3A_39 : vector<16xi32> to vector<16xi32>
      tpu.vector_store %arg7[%swap3A], %swap3A_42 {strides = array<i32>} : memref<128xi32, #tpu.memory_space<vmem>>, vector<16xi32>,
      %get3A_43 = arith.constant 128 : index
      %get3A_44 = tpu.vector_load %arg6[%get3A_43] {strides = array<i32>} : memref<256xi32, #tpu.memory_space<vmem>>, vector<16xi32>,
      %get3A_45 = vector.shape_cast %get3A_44 : vector<16xi32> to vector<16xi32>
      %swap3A_46 = arith.constant 0 : index
      %swap3A_47 = tpu.vector_load %arg8[%swap3A_46] {strides = array<i32>} : memref<128xi32, #tpu.memory_space<vmem>>, vector<16xi32>,
      %swap3A_48 = vector.shape_cast %swap3A_47 : vector<16xi32> to vector<16xi32>
      %swap3A_49 = vector.shape_cast %get3A_45 : vector<16xi32> to vector<16xi32>
      tpu.vector_store %arg8[%swap3A_46], %swap3A_49 {strides = array<i32>} : memref<128xi32, #tpu.memory_space<vmem>>, vector<16xi32>,
      %get3A_50 = arith.constant 16 : index
      %get3A_51 = tpu.vector_load %arg6[%get3A_50] {strides = array<i32>} : memref<256xi32, #tpu.memory_space<vmem>>, vector<16xi32>,
      %get3A_52 = vector.shape_cast %get3A_51 : vector<16xi32> to vector<16xi32>
      %add3A_53 = vector.broadcast %mul3A_0 : i32 to vector<16xi32>
      %add3A_54 = arith.addi %get3A_52, %add3A_53 : vector<16xi32>
      %swap3A_55 = arith.constant 16 : index
      %swap3A_56 = tpu.vector_load %arg7[%swap3A_55] {strides = array<i32>} : memref<128xi32, #tpu.memory_space<vmem>>, vector<16xi32>,
      %swap3A_57 = vector.shape_cast %swap3A_56 : vector<16xi32> to vector<16xi32>
      %swap3A_58 = vector.shape_cast %add3A_54 : vector<16xi32> to vector<16xi32>
      tpu.vector_store %arg7[%swap3A_55], %swap3A_58 {strides = array<i32>} : memref<128xi32, #tpu.memory_space<vmem>>, vector<16xi32>,
      %get3A_59 = arith.constant 144 : index
      %get3A_60 = tpu.vector_load %arg6[%get3A_59] {strides = array<i32>} : memref<256xi32, #tpu.memory_space<vmem>>, vector<16xi32>,
      %get3A_61 = vector.shape_cast %get3A_60 : vector<16xi32> to vector<16xi32>
      %swap3A_62 = arith.constant 16 : index
      %swap3A_63 = tpu.vector_load %arg8[%swap3A_62] {strides = array<i32>} : memref<128xi32, #tpu.memory_space<vmem>>, vector<16xi32>,
      %swap3A_64 = vector.shape_cast %swap3A_63 : vector<16xi32> to vector<16xi32>
      %swap3A_65 = vector.shape_cast %get3A_61 : vector<16xi32> to vector<16xi32>
      tpu.vector_store %arg8[%swap3A_62], %swap3A_65 {strides = array<i32>} : memref<128xi32, #tpu.memory_space<vmem>>, vector<16xi32>,
      %get3A_66 = arith.constant 32 : index
      %get3A_67 = tpu.vector_load %arg6[%get3A_66] {strides = array<i32>} : memref<256xi32, #tpu.memory_space<vmem>>, vector<16xi32>,
      %get3A_68 = vector.shape_cast %get3A_67 : vector<16xi32> to vector<16xi32>
      %add3A_69 = vector.broadcast %mul3A_0 : i32 to vector<16xi32>
      %add3A_70 = arith.addi %get3A_68, %add3A_69 : vector<16xi32>
      %swap3A_71 = arith.constant 32 : index
      %swap3A_72 = tpu.vector_load %arg7[%swap3A_71] {strides = array<i32>} : memref<128xi32, #tpu.memory_space<vmem>>, vector<16xi32>,
      %swap3A_73 = vector.shape_cast %swap3A_72 : vector<16xi32> to vector<16xi32>
      %swap3A_74 = vector.shape_cast %add3A_70 : vector<16xi32> to vector<16xi32>
      tpu.vector_store %arg7[%swap3A_71], %swap3A_74 {strides = array<i32>} : memref<128xi32, #tpu.memory_space<vmem>>, vector<16xi32>,
      %get3A_75 = arith.constant 160 : index
      %get3A_76 = tpu.vector_load %arg6[%get3A_75] {strides = array<i32>} : memref<256xi32, #tpu.memory_space<vmem>>, vector<16xi32>,
      %get3A_77 = vector.shape_cast %get3A_76 : vector<16xi32> to vector<16xi32>
      %swap3A_78 = arith.constant 32 : index
      %swap3A_79 = tpu.vector_load %arg8[%swap3A_78] {strides = array<i32>} : memref<128xi32, #tpu.memory_space<vmem>>, vector<16xi32>,
      %swap3A_80 = vector.shape_cast %swap3A_79 : vector<16xi32> to vector<16xi32>
      %swap3A_81 = vector.shape_cast %get3A_77 : vector<16xi32> to vector<16xi32>
      tpu.vector_store %arg8[%swap3A_78], %swap3A_81 {strides = array<i32>} : memref<128xi32, #tpu.memory_space<vmem>>, vector<16xi32>,
      %get3A_82 = arith.constant 48 : index
      %get3A_83 = tpu.vector_load %arg6[%get3A_82] {strides = array<i32>} : memref<256xi32, #tpu.memory_space<vmem>>, vector<16xi32>,
      %get3A_84 = vector.shape_cast %get3A_83 : vector<16xi32> to vector<16xi32>
      %add3A_85 = vector.broadcast %mul3A_0 : i32 to vector<16xi32>
      %add3A_86 = arith.addi %get3A_84, %add3A_85 : vector<16xi32>
      %swap3A_87 = arith.constant 48 : index
      %swap3A_88 = tpu.vector_load %arg7[%swap3A_87] {strides = array<i32>} : memref<128xi32, #tpu.memory_space<vmem>>, vector<16xi32>,
      %swap3A_89 = vector.shape_cast %swap3A_88 : vector<16xi32> to vector<16xi32>
      %swap3A_90 = vector.shape_cast %add3A_86 : vector<16xi32> to vector<16xi32>
      tpu.vector_store %arg7[%swap3A_87], %swap3A_90 {strides = array<i32>} : memref<128xi32, #tpu.memory_space<vmem>>, vector<16xi32>,
      %get3A_91 = arith.constant 176 : index
      %get3A_92 = tpu.vector_load %arg6[%get3A_91] {strides = array<i32>} : memref<256xi32, #tpu.memory_space<vmem>>, vector<16xi32>,
      %get3A_93 = vector.shape_cast %get3A_92 : vector<16xi32> to vector<16xi32>
      %swap3A_94 = arith.constant 48 : index
      %swap3A_95 = tpu.vector_load %arg8[%swap3A_94] {strides = array<i32>} : memref<128xi32, #tpu.memory_space<vmem>>, vector<16xi32>,
      %swap3A_96 = vector.shape_cast %swap3A_95 : vector<16xi32> to vector<16xi32>
      %swap3A_97 = vector.shape_cast %get3A_93 : vector<16xi32> to vector<16xi32>
      tpu.vector_store %arg8[%swap3A_94], %swap3A_97 {strides = array<i32>} : memref<128xi32, #tpu.memory_space<vmem>>, vector<16xi32>,
      %get3A_98 = arith.constant 64 : index
      %get3A_99 = tpu.vector_load %arg6[%get3A_98] {strides = array<i32>} : memref<256xi32, #tpu.memory_space<vmem>>, vector<16xi32>,
      %get3A_100 = vector.shape_cast %get3A_99 : vector<16xi32> to vector<16xi32>
      %add3A_101 = vector.broadcast %mul3A_0 : i32 to vector<16xi32>
      %add3A_102 = arith.addi %get3A_100, %add3A_101 : vector<16xi32>
      %swap3A_103 = arith.constant 64 : index
      %swap3A_104 = tpu.vector_load %arg7[%swap3A_103] {strides = array<i32>} : memref<128xi32, #tpu.memory_space<vmem>>, vector<16xi32>,
      %swap3A_105 = vector.shape_cast %swap3A_104 : vector<16xi32> to vector<16xi32>
      %swap3A_106 = vector.shape_cast %add3A_102 : vector<16xi32> to vector<16xi32>
      tpu.vector_store %arg7[%swap3A_103], %swap3A_106 {strides = array<i32>} : memref<128xi32, #tpu.memory_space<vmem>>, vector<16xi32>,
      %get3A_107 = arith.constant 192 : index
      %get3A_108 = tpu.vector_load %arg6[%get3A_107] {strides = array<i32>} : memref<256xi32, #tpu.memory_space<vmem>>, vector<16xi32>,
      %get3A_109 = vector.shape_cast %get3A_108 : vector<16xi32> to vector<16xi32>
      %swap3A_110 = arith.constant 64 : index
      %swap3A_111 = tpu.vector_load %arg8[%swap3A_110] {strides = array<i32>} : memref<128xi32, #tpu.memory_space<vmem>>, vector<16xi32>,
      %swap3A_112 = vector.shape_cast %swap3A_111 : vector<16xi32> to vector<16xi32>
      %swap3A_113 = vector.shape_cast %get3A_109 : vector<16xi32> to vector<16xi32>
      tpu.vector_store %arg8[%swap3A_110], %swap3A_113 {strides = array<i32>} : memref<128xi32, #tpu.memory_space<vmem>>, vector<16xi32>,
      %get3A_114 = arith.constant 80 : index
      %get3A_115 = tpu.vector_load %arg6[%get3A_114] {strides = array<i32>} : memref<256xi32, #tpu.memory_space<vmem>>, vector<16xi32>,
      %get3A_116 = vector.shape_cast %get3A_115 : vector<16xi32> to vector<16xi32>
      %add3A_117 = vector.broadcast %mul3A_0 : i32 to vector<16xi32>
      %add3A_118 = arith.addi %get3A_116, %add3A_117 : vector<16xi32>
      %swap3A_119 = arith.constant 80 : index
      %swap3A_120 = tpu.vector_load %arg7[%swap3A_119] {strides = array<i32>} : memref<128xi32, #tpu.memory_space<vmem>>, vector<16xi32>,
      %swap3A_121 = vector.shape_cast %swap3A_120 : vector<16xi32> to vector<16xi32>
      %swap3A_122 = vector.shape_cast %add3A_118 : vector<16xi32> to vector<16xi32>
      tpu.vector_store %arg7[%swap3A_119], %swap3A_122 {strides = array<i32>} : memref<128xi32, #tpu.memory_space<vmem>>, vector<16xi32>,
      %get3A_123 = arith.constant 208 : index
      %get3A_124 = tpu.vector_load %arg6[%get3A_123] {strides = array<i32>} : memref<256xi32, #tpu.memory_space<vmem>>, vector<16xi32>,
      %get3A_125 = vector.shape_cast %get3A_124 : vector<16xi32> to vector<16xi32>
      %swap3A_126 = arith.constant 80 : index
      %swap3A_127 = tpu.vector_load %arg8[%swap3A_126] {strides = array<i32>} : memref<128xi32, #tpu.memory_space<vmem>>, vector<16xi32>,
      %swap3A_128 = vector.shape_cast %swap3A_127 : vector<16xi32> to vector<16xi32>
      %swap3A_129 = vector.shape_cast %get3A_125 : vector<16xi32> to vector<16xi32>
      tpu.vector_store %arg8[%swap3A_126], %swap3A_129 {strides = array<i32>} : memref<128xi32, #tpu.memory_space<vmem>>, vector<16xi32>,
      %get3A_130 = arith.constant 96 : index
      %get3A_131 = tpu.vector_load %arg6[%get3A_130] {strides = array<i32>} : memref<256xi32, #tpu.memory_space<vmem>>, vector<16xi32>,
      %get3A_132 = vector.shape_cast %get3A_131 : vector<16xi32> to vector<16xi32>
      %add3A_133 = vector.broadcast %mul3A_0 : i32 to vector<16xi32>
      %add3A_134 = arith.addi %get3A_132, %add3A_133 : vector<16xi32>
      %swap3A_135 = arith.constant 96 : index
      %swap3A_136 = tpu.vector_load %arg7[%swap3A_135] {strides = array<i32>} : memref<128xi32, #tpu.memory_space<vmem>>, vector<16xi32>,
      %swap3A_137 = vector.shape_cast %swap3A_136 : vector<16xi32> to vector<16xi32>
      %swap3A_138 = vector.shape_cast %add3A_134 : vector<16xi32> to vector<16xi32>
      tpu.vector_store %arg7[%swap3A_135], %swap3A_138 {strides = array<i32>} : memref<128xi32, #tpu.memory_space<vmem>>, vector<16xi32>,
      %get3A_139 = arith.constant 224 : index
      %get3A_140 = tpu.vector_load %arg6[%get3A_139] {strides = array<i32>} : memref<256xi32, #tpu.memory_space<vmem>>, vector<16xi32>,
      %get3A_141 = vector.shape_cast %get3A_140 : vector<16xi32> to vector<16xi32>
      %swap3A_142 = arith.constant 96 : index
      %swap3A_143 = tpu.vector_load %arg8[%swap3A_142] {strides = array<i32>} : memref<128xi32, #tpu.memory_space<vmem>>, vector<16xi32>,
      %swap3A_144 = vector.shape_cast %swap3A_143 : vector<16xi32> to vector<16xi32>
      %swap3A_145 = vector.shape_cast %get3A_141 : vector<16xi32> to vector<16xi32>
      tpu.vector_store %arg8[%swap3A_142], %swap3A_145 {strides = array<i32>} : memref<128xi32, #tpu.memory_space<vmem>>, vector<16xi32>,
      %get3A_146 = arith.constant 112 : index
      %get3A_147 = tpu.vector_load %arg6[%get3A_146] {strides = array<i32>} : memref<256xi32, #tpu.memory_space<vmem>>, vector<16xi32>,
      %get3A_148 = vector.shape_cast %get3A_147 : vector<16xi32> to vector<16xi32>
      %add3A_149 = vector.broadcast %mul3A_0 : i32 to vector<16xi32>
      %add3A_150 = arith.addi %get3A_148, %add3A_149 : vector<16xi32>
      %swap3A_151 = arith.constant 112 : index
      %swap3A_152 = tpu.vector_load %arg7[%swap3A_151] {strides = array<i32>} : memref<128xi32, #tpu.memory_space<vmem>>, vector<16xi32>,
      %swap3A_153 = vector.shape_cast %swap3A_152 : vector<16xi32> to vector<16xi32>
      %swap3A_154 = vector.shape_cast %add3A_150 : vector<16xi32> to vector<16xi32>
      tpu.vector_store %arg7[%swap3A_151], %swap3A_154 {strides = array<i32>} : memref<128xi32, #tpu.memory_space<vmem>>, vector<16xi32>,
      %get3A_155 = arith.constant 240 : index
      %get3A_156 = tpu.vector_load %arg6[%get3A_155] {strides = array<i32>} : memref<256xi32, #tpu.memory_space<vmem>>, vector<16xi32>,
      %get3A_157 = vector.shape_cast %get3A_156 : vector<16xi32> to vector<16xi32>
      %swap3A_158 = arith.constant 112 : index
      %swap3A_159 = tpu.vector_load %arg8[%swap3A_158] {strides = array<i32>} : memref<128xi32, #tpu.memory_space<vmem>>, vector<16xi32>,
      %swap3A_160 = vector.shape_cast %swap3A_159 : vector<16xi32> to vector<16xi32>
      %swap3A_161 = vector.shape_cast %get3A_157 : vector<16xi32> to vector<16xi32>
      tpu.vector_store %arg8[%swap3A_158], %swap3A_161 {strides = array<i32>} : memref<128xi32, #tpu.memory_space<vmem>>, vector<16xi32>,
      %dma_start3A = arith.constant 0 : i32
      %dma_start3A_162 = arith.constant 0 : i32
      %dma_start3A_163 = tpu.memref_slice %arg2[%dma_start3A, %dma_start3A_162] : memref<20000x128xf32, #tpu.memory_space<hbm>> -> memref<20000x128xf32, #tpu.memory_space<hbm>>
      tpu.enqueue_indirect_dma source(%dma_start3A_163 : memref<20000x128xf32, #tpu.memory_space<hbm>>) target(%arg9 : memref<128x128xf32, #tpu.memory_space<vmem>>) offsets(%arg7 : memref<128xi32, #tpu.memory_space<vmem>>) semaphore(%arg11 : memref<!tpu.dma_semaphore, #tpu.memory_space<semaphore_mem>>)
      %dma_wait3A = arith.constant 0 : i32
      %dma_wait3A_164 = arith.constant 0 : i32
      %dma_wait3A_165 = tpu.memref_slice %arg2[%dma_wait3A, %dma_wait3A_164] : memref<20000x128xf32, #tpu.memory_space<hbm>> -> memref<20000x128xf32, #tpu.memory_space<hbm>>
      tpu.wait_indirect_dma semaphore(%arg11 : memref<!tpu.dma_semaphore, #tpu.memory_space<semaphore_mem>>) src(%dma_wait3A_165 : memref<20000x128xf32, #tpu.memory_space<hbm>>) dst(%arg9 : memref<128x128xf32, #tpu.memory_space<vmem>>)
      "tpu.region"() ({
        %run_scoped3A = tpu.sem_alloc : memref<!tpu.dma_semaphore, #tpu.memory_space<semaphore_mem>>
        %dma_start3A_166 = arith.constant 0 : i32
        %dma_start3A_167 = arith.constant 0 : i32
        %dma_start3A_168 = tpu.memref_slice %arg10[%dma_start3A_166, %dma_start3A_167] : memref<10128x128xf32, #tpu.memory_space<vmem_shared>> -> memref<10128x128xf32, #tpu.memory_space<vmem_shared>>
        tpu.enqueue_indirect_dma source(%arg9 : memref<128x128xf32, #tpu.memory_space<vmem>>) target(%dma_start3A_168 : memref<10128x128xf32, #tpu.memory_space<vmem_shared>>) offsets(%arg8 : memref<128xi32, #tpu.memory_space<vmem>>) semaphore(%run_scoped3A : memref<!tpu.dma_semaphore, #tpu.memory_space<semaphore_mem>>) {add = true}
        %dma_wait3A_169 = arith.constant 0 : i32
        %dma_wait3A_170 = arith.constant 0 : i32
        %dma_wait3A_171 = tpu.memref_slice %arg10[%dma_wait3A_169, %dma_wait3A_170] : memref<10128x128xf32, #tpu.memory_space<vmem_shared>> -> memref<10128x128xf32, #tpu.memory_space<vmem_shared>>
        tpu.wait_indirect_dma semaphore(%run_scoped3A : memref<!tpu.dma_semaphore, #tpu.memory_space<semaphore_mem>>) src(%arg9 : memref<128x128xf32, #tpu.memory_space<vmem>>) dst(%dma_wait3A_171 : memref<10128x128xf32, #tpu.memory_space<vmem_shared>>)
        tpu.yield
      }) : () -> ()
    }
    %scan3A_17 = arith.constant 157 : i32
    %barrier3A_18 = arith.constant 0 : index
    tpu.barrier barrier_id(%barrier3A_18)
    %mul3A_19 = arith.constant 624 : i32
    %mul3A_20 = arith.muli %arg1, %mul3A_19 : i32
    %mul3A_21 = arith.constant 10000 : i32
    %mul3A_22 = arith.muli %arg0, %mul3A_21 : i32
    %mul3A_23 = arith.constant 624 : i32
    %mul3A_24 = arith.muli %arg1, %mul3A_23 : i32
    %add3A = arith.addi %mul3A_22, %mul3A_24 : i32
    "tpu.region"() ({
      %run_scoped3A = tpu.sem_alloc : memref<!tpu.dma_semaphore, #tpu.memory_space<semaphore_mem>>
      %dma_start3A = arith.constant 0 : i32
      %dma_start3A_30 = tpu.memref_slice %arg5[%add3A, %dma_start3A] : memref<20000x128xf32, #tpu.memory_space<hbm>> -> memref<624x128xf32, #tpu.memory_space<hbm>>
      %dma_start3A_31 = arith.constant 0 : i32
      %dma_start3A_32 = tpu.memref_slice %arg10[%mul3A_20, %dma_start3A_31] : memref<10128x128xf32, #tpu.memory_space<vmem_shared>> -> memref<624x128xf32, #tpu.memory_space<vmem_shared>>
      tpu.enqueue_dma source(%dma_start3A_32 : memref<624x128xf32, #tpu.memory_space<vmem_shared>>) target(%dma_start3A_30 : memref<624x128xf32, #tpu.memory_space<hbm>>) target_semaphore(%run_scoped3A : memref<!tpu.dma_semaphore, #tpu.memory_space<semaphore_mem>>)
      %dma_wait3A = arith.constant 0 : i32
      %dma_wait3A_33 = tpu.memref_slice %arg5[%add3A, %dma_wait3A] : memref<20000x128xf32, #tpu.memory_space<hbm>> -> memref<624x128xf32, #tpu.memory_space<hbm>>
      %dma_wait3A_34 = arith.constant 0 : i32
      %dma_wait3A_35 = tpu.memref_slice %arg10[%mul3A_20, %dma_wait3A_34] : memref<10128x128xf32, #tpu.memory_space<vmem_shared>> -> memref<624x128xf32, #tpu.memory_space<vmem_shared>>
      tpu.wait_dma2 semaphore(%run_scoped3A : memref<!tpu.dma_semaphore, #tpu.memory_space<semaphore_mem>>) src(%dma_wait3A_35 : memref<624x128xf32, #tpu.memory_space<vmem_shared>>) dst(%dma_wait3A_33 : memref<624x128xf32, #tpu.memory_space<hbm>>)
      tpu.yield
    }) : () -> ()
    %eq3A_25 = arith.constant 15 : i32
    %eq3A_26 = arith.cmpi eq, %arg1, %eq3A_25 : i32
    %convert_element_type3A_27 = arith.extui %eq3A_26 : i1 to i32
    %cond3A_28 = arith.constant 0 : i32
    %cond3A_29 = arith.cmpi ne, %convert_element_type3A_27, %cond3A_28 : i32
    scf.if %cond3A_29 {
      %mul3A_30 = arith.constant 10000 : i32
      %mul3A_31 = arith.muli %arg0, %mul3A_30 : i32
      %add3A_32 = arith.constant 9984 : i32
      %add3A_33 = arith.addi %mul3A_31, %add3A_32 : i32
      "tpu.region"() ({
        %run_scoped3A = tpu.sem_alloc : memref<!tpu.dma_semaphore, #tpu.memory_space<semaphore_mem>>
        %dma_start3A = arith.constant 0 : i32
        %dma_start3A_34 = tpu.memref_slice %arg5[%add3A_33, %dma_start3A] : memref<20000x128xf32, #tpu.memory_space<hbm>> -> memref<16x128xf32, #tpu.memory_space<hbm>>
        %dma_start3A_35 = arith.constant 9984 : i32
        %dma_start3A_36 = arith.constant 0 : i32
        %dma_start3A_37 = tpu.memref_slice %arg10[%dma_start3A_35, %dma_start3A_36] : memref<10128x128xf32, #tpu.memory_space<vmem_shared>> -> memref<16x128xf32, #tpu.memory_space<vmem_shared>>
        tpu.enqueue_dma source(%dma_start3A_37 : memref<16x128xf32, #tpu.memory_space<vmem_shared>>) target(%dma_start3A_34 : memref<16x128xf32, #tpu.memory_space<hbm>>) target_semaphore(%run_scoped3A : memref<!tpu.dma_semaphore, #tpu.memory_space<semaphore_mem>>)
        %dma_wait3A = arith.constant 0 : i32
        %dma_wait3A_38 = tpu.memref_slice %arg5[%add3A_33, %dma_wait3A] : memref<20000x128xf32, #tpu.memory_space<hbm>> -> memref<16x128xf32, #tpu.memory_space<hbm>>
        %dma_wait3A_39 = arith.constant 9984 : i32
        %dma_wait3A_40 = arith.constant 0 : i32
        %dma_wait3A_41 = tpu.memref_slice %arg10[%dma_wait3A_39, %dma_wait3A_40] : memref<10128x128xf32, #tpu.memory_space<vmem_shared>> -> memref<16x128xf32, #tpu.memory_space<vmem_shared>>
        tpu.wait_dma2 semaphore(%run_scoped3A : memref<!tpu.dma_semaphore, #tpu.memory_space<semaphore_mem>>) src(%dma_wait3A_41 : memref<16x128xf32, #tpu.memory_space<vmem_shared>>) dst(%dma_wait3A_38 : memref<16x128xf32, #tpu.memory_space<hbm>>)
        tpu.yield
      }) : () -> ()
    } else {
    }
    return
  }
}

module attributes {stable_mosaic.version = 14 : i64} {
  func.func @_l2norm_body(%arg0: i32, %arg1: memref<2000x128xf32, #tpu.memory_space<vmem>>, %arg2: memref<2000x128xf32, #tpu.memory_space<vmem>>) attributes {dimension_semantics = [#tpu.dimension_semantics<arbitrary>], iteration_bounds = array<i64: 10>, scalar_prefetch = 0 : i64, scratch_operands = 0 : i64, tpu.core_type = #tpu.core_type<tc>, window_params = [{transform_indices = @transform_0, window_bounds = array<i64: 2000, 128>}, {transform_indices = @transform_1, window_bounds = array<i64: 2000, 128>}]} {
    %get3A = arith.constant 0 : index
    %get3A_0 = arith.constant 0 : index
    %get3A_1 = vector.load %arg1[%get3A, %get3A_0] : memref<2000x128xf32, #tpu.memory_space<vmem>>, vector<2000x128xf32>
    %mul3A = arith.mulf %get3A_1, %get3A_1 : vector<2000x128xf32>
    %reduce_sum3A = arith.constant dense<0.000000e+00> : vector<2000xf32>
    %reduce_sum3A_2 = vector.multi_reduction <add>, %mul3A, %reduce_sum3A [1] : vector<2000x128xf32> to vector<2000xf32>
    %broadcast_in_dim3A = vector.shape_cast %reduce_sum3A_2 : vector<2000xf32> to vector<2000x1xf32>
    %sqrt3A = math.sqrt %broadcast_in_dim3A : vector<2000x1xf32>
    %max3A = arith.constant 9.99999996E-13 : f32
    %max3A_3 = vector.broadcast %max3A : f32 to vector<2000x1xf32>
    %max3A_4 = arith.maximumf %sqrt3A, %max3A_3 : vector<2000x1xf32>
    %div3A = vector.broadcast %max3A_4 : vector<2000x1xf32> to vector<2000x128xf32>
    %div3A_5 = arith.divf %get3A_1, %div3A : vector<2000x128xf32>
    %swap3A = arith.constant 0 : index
    %swap3A_6 = arith.constant 0 : index
    %swap3A_7 = vector.load %arg2[%swap3A, %swap3A_6] : memref<2000x128xf32, #tpu.memory_space<vmem>>, vector<2000x128xf32>
    tpu.vector_store %arg2[%swap3A, %swap3A_6], %div3A_5 {strides = array<i32>} : memref<2000x128xf32, #tpu.memory_space<vmem>>, vector<2000x128xf32>,
    return
  }
  func.func @transform_0(%arg0: i32) -> (i32, i32) {
    %c0_i32 = arith.constant 0 : i32
    %c0_i32_0 = arith.constant 0 : i32
    return %arg0, %c0_i32 : i32, i32
  }
  func.func @transform_1(%arg0: i32) -> (i32, i32) {
    %c0_i32 = arith.constant 0 : i32
    %c0_i32_0 = arith.constant 0 : i32
    return %arg0, %c0_i32 : i32, i32
  }
}

module attributes {stable_mosaic.version = 14 : i64} {
  func.func @_fused_body(%arg0: i32, %arg1: memref<2000x128xf32, #tpu.memory_space<vmem>>, %arg2: memref<2000x128xf32, #tpu.memory_space<vmem>>, %arg3: memref<128x128xf32, #tpu.memory_space<vmem>>, %arg4: memref<1x128xf32, #tpu.memory_space<vmem>>, %arg5: memref<1x128xf32, #tpu.memory_space<vmem>>, %arg6: memref<1x128xf32, #tpu.memory_space<vmem>>, %arg7: memref<128x128xf32, #tpu.memory_space<vmem>>, %arg8: memref<1x128xf32, #tpu.memory_space<vmem>>, %arg9: memref<1x128xf32, #tpu.memory_space<vmem>>, %arg10: memref<1x128xf32, #tpu.memory_space<vmem>>, %arg11: memref<128x384xf32, #tpu.memory_space<vmem>>, %arg12: memref<1x384xf32, #tpu.memory_space<vmem>>, %arg13: memref<128x128xf32, #tpu.memory_space<vmem>>, %arg14: memref<1x128xf32, #tpu.memory_space<vmem>>, %arg15: memref<1x128xf32, #tpu.memory_space<vmem>>, %arg16: memref<1x128xf32, #tpu.memory_space<vmem>>, %arg17: memref<2000x128xf32, #tpu.memory_space<vmem>>) attributes {dimension_semantics = [#tpu.dimension_semantics<arbitrary>], iteration_bounds = array<i64: 10>, scalar_prefetch = 0 : i64, scratch_operands = 0 : i64, tpu.core_type = #tpu.core_type<tc>, window_params = [{transform_indices = @transform_0, window_bounds = array<i64: 2000, 128>}, {transform_indices = @transform_1, window_bounds = array<i64: 2000, 128>}, {pipeline_mode = #tpu.pipeline_mode<synchronous>, transform_indices = @transform_2, window_bounds = array<i64: 128, 128>}, {pipeline_mode = #tpu.pipeline_mode<synchronous>, transform_indices = @transform_3, window_bounds = array<i64: 1, 128>}, {pipeline_mode = #tpu.pipeline_mode<synchronous>, transform_indices = @transform_4, window_bounds = array<i64: 1, 128>}, {pipeline_mode = #tpu.pipeline_mode<synchronous>, transform_indices = @transform_5, window_bounds = array<i64: 1, 128>}, {pipeline_mode = #tpu.pipeline_mode<synchronous>, transform_indices = @transform_6, window_bounds = array<i64: 128, 128>}, {pipeline_mode = #tpu.pipeline_mode<synchronous>, transform_indices = @transform_7, window_bounds = array<i64: 1, 128>}, {pipeline_mode = #tpu.pipeline_mode<synchronous>, transform_indices = @transform_8, window_bounds = array<i64: 1, 128>}, {pipeline_mode = #tpu.pipeline_mode<synchronous>, transform_indices = @transform_9, window_bounds = array<i64: 1, 128>}, {pipeline_mode = #tpu.pipeline_mode<synchronous>, transform_indices = @transform_10, window_bounds = array<i64: 128, 384>}, {pipeline_mode = #tpu.pipeline_mode<synchronous>, transform_indices = @transform_11, window_bounds = array<i64: 1, 384>}, {pipeline_mode = #tpu.pipeline_mode<synchronous>, transform_indices = @transform_12, window_bounds = array<i64: 128, 128>}, {pipeline_mode = #tpu.pipeline_mode<synchronous>, transform_indices = @transform_13, window_bounds = array<i64: 1, 128>}, {pipeline_mode = #tpu.pipeline_mode<synchronous>, transform_indices = @transform_14, window_bounds = array<i64: 1, 128>}, {pipeline_mode = #tpu.pipeline_mode<synchronous>, transform_indices = @transform_15, window_bounds = array<i64: 1, 128>}, {transform_indices = @transform_16, window_bounds = array<i64: 2000, 128>}]} {
    %get3A = arith.constant 0 : index
    %get3A_0 = arith.constant 0 : index
    %get3A_1 = vector.load %arg1[%get3A, %get3A_0] : memref<2000x128xf32, #tpu.memory_space<vmem>>, vector<2000x128xf32>
    %mul3A = arith.mulf %get3A_1, %get3A_1 : vector<2000x128xf32>
    %reduce_sum3A = arith.constant dense<0.000000e+00> : vector<2000xf32>
    %reduce_sum3A_2 = vector.multi_reduction <add>, %mul3A, %reduce_sum3A [1] : vector<2000x128xf32> to vector<2000xf32>
    %broadcast_in_dim3A = vector.shape_cast %reduce_sum3A_2 : vector<2000xf32> to vector<2000x1xf32>
    %sqrt3A = math.sqrt %broadcast_in_dim3A : vector<2000x1xf32>
    %max3A = arith.constant 9.99999996E-13 : f32
    %max3A_3 = vector.broadcast %max3A : f32 to vector<2000x1xf32>
    %max3A_4 = arith.maximumf %sqrt3A, %max3A_3 : vector<2000x1xf32>
    %div3A = vector.broadcast %max3A_4 : vector<2000x1xf32> to vector<2000x128xf32>
    %div3A_5 = arith.divf %get3A_1, %div3A : vector<2000x128xf32>
    %get3A_6 = arith.constant 0 : index
    %get3A_7 = arith.constant 0 : index
    %get3A_8 = vector.load %arg3[%get3A_6, %get3A_7] : memref<128x128xf32, #tpu.memory_space<vmem>>, vector<128x128xf32>
    %dot_general3A = arith.constant dense<0.000000e+00> : vector<2000x128xf32>
    %dot_general3A_9 = tpu.matmul %div3A_5, %get3A_8, %dot_general3A {dimension_numbers = #tpu.dot_dimension_numbers<[1], [0], [0], [1], [0, 0, 1, 1], [], []>, transpose_lhs_hint = false} : vector<2000x128xf32>, vector<128x128xf32>, vector<2000x128xf32> -> vector<2000x128xf32>
    %get3A_10 = arith.constant 0 : index
    %get3A_11 = arith.constant 0 : index
    %get3A_12 = vector.load %arg4[%get3A_10, %get3A_11] : memref<1x128xf32, #tpu.memory_space<vmem>>, vector<1x128xf32>
    %add3A = vector.broadcast %get3A_12 : vector<1x128xf32> to vector<2000x128xf32>
    %add3A_13 = arith.addf %dot_general3A_9, %add3A : vector<2000x128xf32>
    %get3A_14 = arith.constant 0 : index
    %get3A_15 = arith.constant 0 : index
    %get3A_16 = vector.load %arg5[%get3A_14, %get3A_15] : memref<1x128xf32, #tpu.memory_space<vmem>>, vector<1x128xf32>
    %get3A_17 = arith.constant 0 : index
    %get3A_18 = arith.constant 0 : index
    %get3A_19 = vector.load %arg6[%get3A_17, %get3A_18] : memref<1x128xf32, #tpu.memory_space<vmem>>, vector<1x128xf32>
    %reduce_sum3A_20 = arith.constant dense<0.000000e+00> : vector<2000xf32>
    %reduce_sum3A_21 = vector.multi_reduction <add>, %add3A_13, %reduce_sum3A_20 [1] : vector<2000x128xf32> to vector<2000xf32>
    %broadcast_in_dim3A_22 = vector.shape_cast %reduce_sum3A_21 : vector<2000xf32> to vector<2000x1xf32>
    %div3A_23 = arith.constant 1.280000e+02 : f32
    %div3A_24 = vector.broadcast %div3A_23 : f32 to vector<2000x1xf32>
    %div3A_25 = arith.divf %broadcast_in_dim3A_22, %div3A_24 : vector<2000x1xf32>
    %jit3A = arith.constant 0 : i32
    %reduce_sum3A_26 = arith.constant dense<0.000000e+00> : vector<2000xf32>
    %reduce_sum3A_27 = vector.multi_reduction <add>, %add3A_13, %reduce_sum3A_26 [1] : vector<2000x128xf32> to vector<2000xf32>
    %broadcast_in_dim3A_28 = vector.shape_cast %reduce_sum3A_27 : vector<2000xf32> to vector<2000x1xf32>
    %div3A_29 = arith.constant 1.280000e+02 : f32
    %div3A_30 = vector.broadcast %div3A_29 : f32 to vector<2000x1xf32>
    %div3A_31 = arith.divf %broadcast_in_dim3A_28, %div3A_30 : vector<2000x1xf32>
    %sub3A = vector.broadcast %div3A_31 : vector<2000x1xf32> to vector<2000x128xf32>
    %sub3A_32 = arith.subf %add3A_13, %sub3A : vector<2000x128xf32>
    %square3A = arith.mulf %sub3A_32, %sub3A_32 : vector<2000x128xf32>
    %convert_element_type3A = arith.sitofp %jit3A : i32 to f32
    %sub3A_33 = arith.constant 1.280000e+02 : f32
    %sub3A_34 = arith.subf %sub3A_33, %convert_element_type3A : f32
    %reduce_sum3A_35 = arith.constant dense<0.000000e+00> : vector<2000xf32>
    %reduce_sum3A_36 = vector.multi_reduction <add>, %square3A, %reduce_sum3A_35 [1] : vector<2000x128xf32> to vector<2000xf32>
    %broadcast_in_dim3A_37 = vector.shape_cast %reduce_sum3A_36 : vector<2000xf32> to vector<2000x1xf32>
    %div3A_38 = vector.broadcast %sub3A_34 : f32 to vector<2000x1xf32>
    %div3A_39 = arith.divf %broadcast_in_dim3A_37, %div3A_38 : vector<2000x1xf32>
    %gt3A = arith.constant 0.000000e+00 : f32
    %gt3A_40 = arith.cmpf ogt, %sub3A_34, %gt3A : f32
    %jit3A_41 = arith.constant 0x7FC00000 : f32
    %broadcast_in_dim3A_42 = vector.broadcast %jit3A_41 : f32 to vector<2000x1xf32>
    %select_n3A = arith.select %gt3A_40, %div3A_39, %broadcast_in_dim3A_42 : vector<2000x1xf32>
    %sub3A_43 = vector.broadcast %div3A_25 : vector<2000x1xf32> to vector<2000x128xf32>
    %sub3A_44 = arith.subf %add3A_13, %sub3A_43 : vector<2000x128xf32>
    %add3A_45 = arith.constant 9.99999974E-6 : f32
    %add3A_46 = vector.broadcast %add3A_45 : f32 to vector<2000x1xf32>
    %add3A_47 = arith.addf %select_n3A, %add3A_46 : vector<2000x1xf32>
    %sqrt3A_48 = math.sqrt %add3A_47 : vector<2000x1xf32>
    %div3A_49 = vector.broadcast %sqrt3A_48 : vector<2000x1xf32> to vector<2000x128xf32>
    %div3A_50 = arith.divf %sub3A_44, %div3A_49 : vector<2000x128xf32>
    %mul3A_51 = vector.broadcast %get3A_16 : vector<1x128xf32> to vector<2000x128xf32>
    %mul3A_52 = arith.mulf %div3A_50, %mul3A_51 : vector<2000x128xf32>
    %add3A_53 = vector.broadcast %get3A_19 : vector<1x128xf32> to vector<2000x128xf32>
    %add3A_54 = arith.addf %mul3A_52, %add3A_53 : vector<2000x128xf32>
    %max3A_55 = arith.constant 0.000000e+00 : f32
    %max3A_56 = vector.broadcast %max3A_55 : f32 to vector<2000x128xf32>
    %max3A_57 = arith.maximumf %add3A_54, %max3A_56 : vector<2000x128xf32>
    %get3A_58 = arith.constant 0 : index
    %get3A_59 = arith.constant 0 : index
    %get3A_60 = vector.load %arg2[%get3A_58, %get3A_59] : memref<2000x128xf32, #tpu.memory_space<vmem>>, vector<2000x128xf32>
    %mul3A_61 = arith.mulf %get3A_60, %get3A_60 : vector<2000x128xf32>
    %reduce_sum3A_62 = arith.constant dense<0.000000e+00> : vector<2000xf32>
    %reduce_sum3A_63 = vector.multi_reduction <add>, %mul3A_61, %reduce_sum3A_62 [1] : vector<2000x128xf32> to vector<2000xf32>
    %broadcast_in_dim3A_64 = vector.shape_cast %reduce_sum3A_63 : vector<2000xf32> to vector<2000x1xf32>
    %sqrt3A_65 = math.sqrt %broadcast_in_dim3A_64 : vector<2000x1xf32>
    %max3A_66 = arith.constant 9.99999996E-13 : f32
    %max3A_67 = vector.broadcast %max3A_66 : f32 to vector<2000x1xf32>
    %max3A_68 = arith.maximumf %sqrt3A_65, %max3A_67 : vector<2000x1xf32>
    %div3A_69 = vector.broadcast %max3A_68 : vector<2000x1xf32> to vector<2000x128xf32>
    %div3A_70 = arith.divf %get3A_60, %div3A_69 : vector<2000x128xf32>
    %get3A_71 = arith.constant 0 : index
    %get3A_72 = arith.constant 0 : index
    %get3A_73 = vector.load %arg7[%get3A_71, %get3A_72] : memref<128x128xf32, #tpu.memory_space<vmem>>, vector<128x128xf32>
    %dot_general3A_74 = arith.constant dense<0.000000e+00> : vector<2000x128xf32>
    %dot_general3A_75 = tpu.matmul %div3A_70, %get3A_73, %dot_general3A_74 {dimension_numbers = #tpu.dot_dimension_numbers<[1], [0], [0], [1], [0, 0, 1, 1], [], []>, transpose_lhs_hint = false} : vector<2000x128xf32>, vector<128x128xf32>, vector<2000x128xf32> -> vector<2000x128xf32>
    %get3A_76 = arith.constant 0 : index
    %get3A_77 = arith.constant 0 : index
    %get3A_78 = vector.load %arg8[%get3A_76, %get3A_77] : memref<1x128xf32, #tpu.memory_space<vmem>>, vector<1x128xf32>
    %add3A_79 = vector.broadcast %get3A_78 : vector<1x128xf32> to vector<2000x128xf32>
    %add3A_80 = arith.addf %dot_general3A_75, %add3A_79 : vector<2000x128xf32>
    %get3A_81 = arith.constant 0 : index
    %get3A_82 = arith.constant 0 : index
    %get3A_83 = vector.load %arg9[%get3A_81, %get3A_82] : memref<1x128xf32, #tpu.memory_space<vmem>>, vector<1x128xf32>
    %get3A_84 = arith.constant 0 : index
    %get3A_85 = arith.constant 0 : index
    %get3A_86 = vector.load %arg10[%get3A_84, %get3A_85] : memref<1x128xf32, #tpu.memory_space<vmem>>, vector<1x128xf32>
    %reduce_sum3A_87 = arith.constant dense<0.000000e+00> : vector<2000xf32>
    %reduce_sum3A_88 = vector.multi_reduction <add>, %add3A_80, %reduce_sum3A_87 [1] : vector<2000x128xf32> to vector<2000xf32>
    %broadcast_in_dim3A_89 = vector.shape_cast %reduce_sum3A_88 : vector<2000xf32> to vector<2000x1xf32>
    %div3A_90 = arith.constant 1.280000e+02 : f32
    %div3A_91 = vector.broadcast %div3A_90 : f32 to vector<2000x1xf32>
    %div3A_92 = arith.divf %broadcast_in_dim3A_89, %div3A_91 : vector<2000x1xf32>
    %jit3A_93 = arith.constant 0 : i32
    %reduce_sum3A_94 = arith.constant dense<0.000000e+00> : vector<2000xf32>
    %reduce_sum3A_95 = vector.multi_reduction <add>, %add3A_80, %reduce_sum3A_94 [1] : vector<2000x128xf32> to vector<2000xf32>
    %broadcast_in_dim3A_96 = vector.shape_cast %reduce_sum3A_95 : vector<2000xf32> to vector<2000x1xf32>
    %div3A_97 = arith.constant 1.280000e+02 : f32
    %div3A_98 = vector.broadcast %div3A_97 : f32 to vector<2000x1xf32>
    %div3A_99 = arith.divf %broadcast_in_dim3A_96, %div3A_98 : vector<2000x1xf32>
    %sub3A_100 = vector.broadcast %div3A_99 : vector<2000x1xf32> to vector<2000x128xf32>
    %sub3A_101 = arith.subf %add3A_80, %sub3A_100 : vector<2000x128xf32>
    %square3A_102 = arith.mulf %sub3A_101, %sub3A_101 : vector<2000x128xf32>
    %convert_element_type3A_103 = arith.sitofp %jit3A_93 : i32 to f32
    %sub3A_104 = arith.constant 1.280000e+02 : f32
    %sub3A_105 = arith.subf %sub3A_104, %convert_element_type3A_103 : f32
    %reduce_sum3A_106 = arith.constant dense<0.000000e+00> : vector<2000xf32>
    %reduce_sum3A_107 = vector.multi_reduction <add>, %square3A_102, %reduce_sum3A_106 [1] : vector<2000x128xf32> to vector<2000xf32>
    %broadcast_in_dim3A_108 = vector.shape_cast %reduce_sum3A_107 : vector<2000xf32> to vector<2000x1xf32>
    %div3A_109 = vector.broadcast %sub3A_105 : f32 to vector<2000x1xf32>
    %div3A_110 = arith.divf %broadcast_in_dim3A_108, %div3A_109 : vector<2000x1xf32>
    %gt3A_111 = arith.constant 0.000000e+00 : f32
    %gt3A_112 = arith.cmpf ogt, %sub3A_105, %gt3A_111 : f32
    %jit3A_113 = arith.constant 0x7FC00000 : f32
    %broadcast_in_dim3A_114 = vector.broadcast %jit3A_113 : f32 to vector<2000x1xf32>
    %select_n3A_115 = arith.select %gt3A_112, %div3A_110, %broadcast_in_dim3A_114 : vector<2000x1xf32>
    %sub3A_116 = vector.broadcast %div3A_92 : vector<2000x1xf32> to vector<2000x128xf32>
    %sub3A_117 = arith.subf %add3A_80, %sub3A_116 : vector<2000x128xf32>
    %add3A_118 = arith.constant 9.99999974E-6 : f32
    %add3A_119 = vector.broadcast %add3A_118 : f32 to vector<2000x1xf32>
    %add3A_120 = arith.addf %select_n3A_115, %add3A_119 : vector<2000x1xf32>
    %sqrt3A_121 = math.sqrt %add3A_120 : vector<2000x1xf32>
    %div3A_122 = vector.broadcast %sqrt3A_121 : vector<2000x1xf32> to vector<2000x128xf32>
    %div3A_123 = arith.divf %sub3A_117, %div3A_122 : vector<2000x128xf32>
    %mul3A_124 = vector.broadcast %get3A_83 : vector<1x128xf32> to vector<2000x128xf32>
    %mul3A_125 = arith.mulf %div3A_123, %mul3A_124 : vector<2000x128xf32>
    %add3A_126 = vector.broadcast %get3A_86 : vector<1x128xf32> to vector<2000x128xf32>
    %add3A_127 = arith.addf %mul3A_125, %add3A_126 : vector<2000x128xf32>
    %max3A_128 = arith.constant 0.000000e+00 : f32
    %max3A_129 = vector.broadcast %max3A_128 : f32 to vector<2000x128xf32>
    %max3A_130 = arith.maximumf %add3A_127, %max3A_129 : vector<2000x128xf32>
    %get3A_131 = arith.constant 0 : index
    %get3A_132 = arith.constant 0 : index
    %get3A_133 = vector.load %arg11[%get3A_131, %get3A_132] : memref<128x384xf32, #tpu.memory_space<vmem>>, vector<128x384xf32>
    %dot_general3A_134 = arith.constant dense<0.000000e+00> : vector<2000x384xf32>
    %dot_general3A_135 = tpu.matmul %max3A_57, %get3A_133, %dot_general3A_134 {dimension_numbers = #tpu.dot_dimension_numbers<[1], [0], [0], [1], [0, 0, 1, 1], [], []>, transpose_lhs_hint = false} : vector<2000x128xf32>, vector<128x384xf32>, vector<2000x384xf32> -> vector<2000x384xf32>
    %get3A_136 = arith.constant 0 : index
    %get3A_137 = arith.constant 0 : index
    %get3A_138 = vector.load %arg12[%get3A_136, %get3A_137] : memref<1x384xf32, #tpu.memory_space<vmem>>, vector<1x384xf32>
    %add3A_139 = vector.broadcast %get3A_138 : vector<1x384xf32> to vector<2000x384xf32>
    %add3A_140 = arith.addf %dot_general3A_135, %add3A_139 : vector<2000x384xf32>
    %get3A_141 = arith.constant 0 : index
    %get3A_142 = arith.constant 0 : index
    %get3A_143 = vector.load %arg11[%get3A_141, %get3A_142] : memref<128x384xf32, #tpu.memory_space<vmem>>, vector<128x384xf32>
    %dot_general3A_144 = arith.constant dense<0.000000e+00> : vector<2000x384xf32>
    %dot_general3A_145 = tpu.matmul %max3A_130, %get3A_143, %dot_general3A_144 {dimension_numbers = #tpu.dot_dimension_numbers<[1], [0], [0], [1], [0, 0, 1, 1], [], []>, transpose_lhs_hint = false} : vector<2000x128xf32>, vector<128x384xf32>, vector<2000x384xf32> -> vector<2000x384xf32>
    %get3A_146 = arith.constant 0 : index
    %get3A_147 = arith.constant 0 : index
    %get3A_148 = vector.load %arg12[%get3A_146, %get3A_147] : memref<1x384xf32, #tpu.memory_space<vmem>>, vector<1x384xf32>
    %add3A_149 = vector.broadcast %get3A_148 : vector<1x384xf32> to vector<2000x384xf32>
    %add3A_150 = arith.addf %dot_general3A_145, %add3A_149 : vector<2000x384xf32>
    %slice3A = vector.extract_strided_slice %add3A_140 {offsets = [0, 0], sizes = [2000, 128], strides = [1, 1]} : vector<2000x384xf32> to vector<2000x128xf32>
    %slice3A_151 = vector.extract_strided_slice %add3A_140 {offsets = [0, 128], sizes = [2000, 128], strides = [1, 1]} : vector<2000x384xf32> to vector<2000x128xf32>
    %slice3A_152 = vector.extract_strided_slice %add3A_140 {offsets = [0, 256], sizes = [2000, 128], strides = [1, 1]} : vector<2000x384xf32> to vector<2000x128xf32>
    %slice3A_153 = vector.extract_strided_slice %add3A_150 {offsets = [0, 0], sizes = [2000, 128], strides = [1, 1]} : vector<2000x384xf32> to vector<2000x128xf32>
    %slice3A_154 = vector.extract_strided_slice %add3A_150 {offsets = [0, 128], sizes = [2000, 128], strides = [1, 1]} : vector<2000x384xf32> to vector<2000x128xf32>
    %slice3A_155 = vector.extract_strided_slice %add3A_150 {offsets = [0, 256], sizes = [2000, 128], strides = [1, 1]} : vector<2000x384xf32> to vector<2000x128xf32>
    %iota3A = tpu.iota {dimensions = array<i32: 0>} : vector<128x128xi32>
    %jit3A_156 = arith.constant 32 : i32
    %div3A_157 = vector.broadcast %jit3A_156 : i32 to vector<128x128xi32>
    %div3A_158 = arith.divsi %iota3A, %div3A_157 : vector<128x128xi32>
    %sign3A = arith.constant 0 : i32
    %sign3A_159 = vector.broadcast %sign3A : i32 to vector<128x128xi32>
    %sign3A_160 = arith.cmpi sgt, %iota3A, %sign3A_159 : vector<128x128xi32>
    %sign3A_161 = arith.extui %sign3A_160 : vector<128x128xi1> to vector<128x128xi32>
    %sign3A_162 = arith.constant 0 : i32
    %sign3A_163 = vector.broadcast %sign3A_162 : i32 to vector<128x128xi32>
    %sign3A_164 = arith.cmpi slt, %iota3A, %sign3A_163 : vector<128x128xi32>
    %sign3A_165 = arith.extui %sign3A_164 : vector<128x128xi1> to vector<128x128xi32>
    %sign3A_166 = arith.subi %sign3A_161, %sign3A_165 : vector<128x128xi32>
    %sign3A_167 = arith.constant 0 : i32
    %sign3A_168 = arith.cmpi sgt, %jit3A_156, %sign3A_167 : i32
    %sign3A_169 = arith.extui %sign3A_168 : i1 to i32
    %sign3A_170 = arith.constant 0 : i32
    %sign3A_171 = arith.cmpi slt, %jit3A_156, %sign3A_170 : i32
    %sign3A_172 = arith.extui %sign3A_171 : i1 to i32
    %sign3A_173 = arith.subi %sign3A_169, %sign3A_172 : i32
    %ne3A = vector.broadcast %sign3A_173 : i32 to vector<128x128xi32>
    %ne3A_174 = arith.cmpi ne, %sign3A_166, %ne3A : vector<128x128xi32>
    %rem3A = vector.broadcast %jit3A_156 : i32 to vector<128x128xi32>
    %rem3A_175 = arith.remsi %iota3A, %rem3A : vector<128x128xi32>
    %ne3A_176 = arith.constant 0 : i32
    %ne3A_177 = vector.broadcast %ne3A_176 : i32 to vector<128x128xi32>
    %ne3A_178 = arith.cmpi ne, %rem3A_175, %ne3A_177 : vector<128x128xi32>
    %and3A = arith.andi %ne3A_174, %ne3A_178 : vector<128x128xi1>
    %sub3A_179 = arith.constant 1 : i32
    %sub3A_180 = vector.broadcast %sub3A_179 : i32 to vector<128x128xi32>
    %sub3A_181 = arith.subi %div3A_158, %sub3A_180 : vector<128x128xi32>
    %select_n3A_182 = arith.select %and3A, %sub3A_181, %div3A_158 : vector<128x128xi1>, vector<128x128xi32>
    %iota3A_183 = tpu.iota {dimensions = array<i32: 1>} : vector<128x128xi32>
    %jit3A_184 = arith.constant 32 : i32
    %div3A_185 = vector.broadcast %jit3A_184 : i32 to vector<128x128xi32>
    %div3A_186 = arith.divsi %iota3A_183, %div3A_185 : vector<128x128xi32>
    %sign3A_187 = arith.constant 0 : i32
    %sign3A_188 = vector.broadcast %sign3A_187 : i32 to vector<128x128xi32>
    %sign3A_189 = arith.cmpi sgt, %iota3A_183, %sign3A_188 : vector<128x128xi32>
    %sign3A_190 = arith.extui %sign3A_189 : vector<128x128xi1> to vector<128x128xi32>
    %sign3A_191 = arith.constant 0 : i32
    %sign3A_192 = vector.broadcast %sign3A_191 : i32 to vector<128x128xi32>
    %sign3A_193 = arith.cmpi slt, %iota3A_183, %sign3A_192 : vector<128x128xi32>
    %sign3A_194 = arith.extui %sign3A_193 : vector<128x128xi1> to vector<128x128xi32>
    %sign3A_195 = arith.subi %sign3A_190, %sign3A_194 : vector<128x128xi32>
    %sign3A_196 = arith.constant 0 : i32
    %sign3A_197 = arith.cmpi sgt, %jit3A_184, %sign3A_196 : i32
    %sign3A_198 = arith.extui %sign3A_197 : i1 to i32
    %sign3A_199 = arith.constant 0 : i32
    %sign3A_200 = arith.cmpi slt, %jit3A_184, %sign3A_199 : i32
    %sign3A_201 = arith.extui %sign3A_200 : i1 to i32
    %sign3A_202 = arith.subi %sign3A_198, %sign3A_201 : i32
    %ne3A_203 = vector.broadcast %sign3A_202 : i32 to vector<128x128xi32>
    %ne3A_204 = arith.cmpi ne, %sign3A_195, %ne3A_203 : vector<128x128xi32>
    %rem3A_205 = vector.broadcast %jit3A_184 : i32 to vector<128x128xi32>
    %rem3A_206 = arith.remsi %iota3A_183, %rem3A_205 : vector<128x128xi32>
    %ne3A_207 = arith.constant 0 : i32
    %ne3A_208 = vector.broadcast %ne3A_207 : i32 to vector<128x128xi32>
    %ne3A_209 = arith.cmpi ne, %rem3A_206, %ne3A_208 : vector<128x128xi32>
    %and3A_210 = arith.andi %ne3A_204, %ne3A_209 : vector<128x128xi1>
    %sub3A_211 = arith.constant 1 : i32
    %sub3A_212 = vector.broadcast %sub3A_211 : i32 to vector<128x128xi32>
    %sub3A_213 = arith.subi %div3A_186, %sub3A_212 : vector<128x128xi32>
    %select_n3A_214 = arith.select %and3A_210, %sub3A_213, %div3A_186 : vector<128x128xi1>, vector<128x128xi32>
    %eq3A = arith.cmpi eq, %select_n3A_182, %select_n3A_214 : vector<128x128xi32>
    %convert_element_type3A_215 = arith.extui %eq3A : vector<128x128xi1> to vector<128x128xi32>
    %convert_element_type3A_216 = arith.sitofp %convert_element_type3A_215 : vector<128x128xi32> to vector<128x128xf32>
    %mul3A_217 = arith.constant 0.176776692 : f32
    %mul3A_218 = vector.broadcast %mul3A_217 : f32 to vector<128x128xf32>
    %mul3A_219 = arith.mulf %convert_element_type3A_216, %mul3A_218 : vector<128x128xf32>
    %mul3A_220 = arith.mulf %slice3A, %slice3A_151 : vector<2000x128xf32>
    %dot_general3A_221 = arith.constant dense<0.000000e+00> : vector<2000x128xf32>
    %dot_general3A_222 = tpu.matmul %mul3A_220, %mul3A_219, %dot_general3A_221 {dimension_numbers = #tpu.dot_dimension_numbers<[1], [0], [0], [1], [0, 0, 1, 1], [], []>, transpose_lhs_hint = false} : vector<2000x128xf32>, vector<128x128xf32>, vector<2000x128xf32> -> vector<2000x128xf32>
    %mul3A_223 = arith.mulf %slice3A, %slice3A_154 : vector<2000x128xf32>
    %dot_general3A_224 = arith.constant dense<0.000000e+00> : vector<2000x128xf32>
    %dot_general3A_225 = tpu.matmul %mul3A_223, %mul3A_219, %dot_general3A_224 {dimension_numbers = #tpu.dot_dimension_numbers<[1], [0], [0], [1], [0, 0, 1, 1], [], []>, transpose_lhs_hint = false} : vector<2000x128xf32>, vector<128x128xf32>, vector<2000x128xf32> -> vector<2000x128xf32>
    %mul3A_226 = arith.mulf %slice3A_153, %slice3A_151 : vector<2000x128xf32>
    %dot_general3A_227 = arith.constant dense<0.000000e+00> : vector<2000x128xf32>
    %dot_general3A_228 = tpu.matmul %mul3A_226, %mul3A_219, %dot_general3A_227 {dimension_numbers = #tpu.dot_dimension_numbers<[1], [0], [0], [1], [0, 0, 1, 1], [], []>, transpose_lhs_hint = false} : vector<2000x128xf32>, vector<128x128xf32>, vector<2000x128xf32> -> vector<2000x128xf32>
    %mul3A_229 = arith.mulf %slice3A_153, %slice3A_154 : vector<2000x128xf32>
    %dot_general3A_230 = arith.constant dense<0.000000e+00> : vector<2000x128xf32>
    %dot_general3A_231 = tpu.matmul %mul3A_229, %mul3A_219, %dot_general3A_230 {dimension_numbers = #tpu.dot_dimension_numbers<[1], [0], [0], [1], [0, 0, 1, 1], [], []>, transpose_lhs_hint = false} : vector<2000x128xf32>, vector<128x128xf32>, vector<2000x128xf32> -> vector<2000x128xf32>
    %sub3A_232 = arith.subf %dot_general3A_225, %dot_general3A_222 : vector<2000x128xf32>
    %exp3A = math.exp %sub3A_232 : vector<2000x128xf32>
    %add3A_233 = arith.constant 1.000000e+00 : f32
    %add3A_234 = vector.broadcast %add3A_233 : f32 to vector<2000x128xf32>
    %add3A_235 = arith.addf %add3A_234, %exp3A : vector<2000x128xf32>
    %div3A_236 = arith.constant 1.000000e+00 : f32
    %div3A_237 = vector.broadcast %div3A_236 : f32 to vector<2000x128xf32>
    %div3A_238 = arith.divf %div3A_237, %add3A_235 : vector<2000x128xf32>
    %sub3A_239 = arith.subf %dot_general3A_231, %dot_general3A_228 : vector<2000x128xf32>
    %exp3A_240 = math.exp %sub3A_239 : vector<2000x128xf32>
    %add3A_241 = arith.constant 1.000000e+00 : f32
    %add3A_242 = vector.broadcast %add3A_241 : f32 to vector<2000x128xf32>
    %add3A_243 = arith.addf %add3A_242, %exp3A_240 : vector<2000x128xf32>
    %div3A_244 = arith.constant 1.000000e+00 : f32
    %div3A_245 = vector.broadcast %div3A_244 : f32 to vector<2000x128xf32>
    %div3A_246 = arith.divf %div3A_245, %add3A_243 : vector<2000x128xf32>
    %mul3A_247 = arith.mulf %div3A_238, %slice3A_152 : vector<2000x128xf32>
    %sub3A_248 = arith.constant 1.000000e+00 : f32
    %sub3A_249 = vector.broadcast %sub3A_248 : f32 to vector<2000x128xf32>
    %sub3A_250 = arith.subf %sub3A_249, %div3A_238 : vector<2000x128xf32>
    %mul3A_251 = arith.mulf %sub3A_250, %slice3A_155 : vector<2000x128xf32>
    %add3A_252 = arith.addf %mul3A_247, %mul3A_251 : vector<2000x128xf32>
    %mul3A_253 = arith.mulf %div3A_246, %slice3A_152 : vector<2000x128xf32>
    %sub3A_254 = arith.constant 1.000000e+00 : f32
    %sub3A_255 = vector.broadcast %sub3A_254 : f32 to vector<2000x128xf32>
    %sub3A_256 = arith.subf %sub3A_255, %div3A_246 : vector<2000x128xf32>
    %mul3A_257 = arith.mulf %sub3A_256, %slice3A_155 : vector<2000x128xf32>
    %add3A_258 = arith.addf %mul3A_253, %mul3A_257 : vector<2000x128xf32>
    %get3A_259 = arith.constant 0 : index
    %get3A_260 = arith.constant 0 : index
    %get3A_261 = vector.load %arg13[%get3A_259, %get3A_260] : memref<128x128xf32, #tpu.memory_space<vmem>>, vector<128x128xf32>
    %dot_general3A_262 = arith.constant dense<0.000000e+00> : vector<2000x128xf32>
    %dot_general3A_263 = tpu.matmul %add3A_252, %get3A_261, %dot_general3A_262 {dimension_numbers = #tpu.dot_dimension_numbers<[1], [0], [0], [1], [0, 0, 1, 1], [], []>, transpose_lhs_hint = false} : vector<2000x128xf32>, vector<128x128xf32>, vector<2000x128xf32> -> vector<2000x128xf32>
    %get3A_264 = arith.constant 0 : index
    %get3A_265 = arith.constant 0 : index
    %get3A_266 = vector.load %arg14[%get3A_264, %get3A_265] : memref<1x128xf32, #tpu.memory_space<vmem>>, vector<1x128xf32>
    %add3A_267 = vector.broadcast %get3A_266 : vector<1x128xf32> to vector<2000x128xf32>
    %add3A_268 = arith.addf %dot_general3A_263, %add3A_267 : vector<2000x128xf32>
    %get3A_269 = arith.constant 0 : index
    %get3A_270 = arith.constant 0 : index
    %get3A_271 = vector.load %arg13[%get3A_269, %get3A_270] : memref<128x128xf32, #tpu.memory_space<vmem>>, vector<128x128xf32>
    %dot_general3A_272 = arith.constant dense<0.000000e+00> : vector<2000x128xf32>
    %dot_general3A_273 = tpu.matmul %add3A_258, %get3A_271, %dot_general3A_272 {dimension_numbers = #tpu.dot_dimension_numbers<[1], [0], [0], [1], [0, 0, 1, 1], [], []>, transpose_lhs_hint = false} : vector<2000x128xf32>, vector<128x128xf32>, vector<2000x128xf32> -> vector<2000x128xf32>
    %get3A_274 = arith.constant 0 : index
    %get3A_275 = arith.constant 0 : index
    %get3A_276 = vector.load %arg14[%get3A_274, %get3A_275] : memref<1x128xf32, #tpu.memory_space<vmem>>, vector<1x128xf32>
    %add3A_277 = vector.broadcast %get3A_276 : vector<1x128xf32> to vector<2000x128xf32>
    %add3A_278 = arith.addf %dot_general3A_273, %add3A_277 : vector<2000x128xf32>
    %add3A_279 = arith.addf %add3A_268, %max3A_57 : vector<2000x128xf32>
    %get3A_280 = arith.constant 0 : index
    %get3A_281 = arith.constant 0 : index
    %get3A_282 = vector.load %arg15[%get3A_280, %get3A_281] : memref<1x128xf32, #tpu.memory_space<vmem>>, vector<1x128xf32>
    %get3A_283 = arith.constant 0 : index
    %get3A_284 = arith.constant 0 : index
    %get3A_285 = vector.load %arg16[%get3A_283, %get3A_284] : memref<1x128xf32, #tpu.memory_space<vmem>>, vector<1x128xf32>
    %reduce_sum3A_286 = arith.constant dense<0.000000e+00> : vector<2000xf32>
    %reduce_sum3A_287 = vector.multi_reduction <add>, %add3A_279, %reduce_sum3A_286 [1] : vector<2000x128xf32> to vector<2000xf32>
    %broadcast_in_dim3A_288 = vector.shape_cast %reduce_sum3A_287 : vector<2000xf32> to vector<2000x1xf32>
    %div3A_289 = arith.constant 1.280000e+02 : f32
    %div3A_290 = vector.broadcast %div3A_289 : f32 to vector<2000x1xf32>
    %div3A_291 = arith.divf %broadcast_in_dim3A_288, %div3A_290 : vector<2000x1xf32>
    %jit3A_292 = arith.constant 0 : i32
    %reduce_sum3A_293 = arith.constant dense<0.000000e+00> : vector<2000xf32>
    %reduce_sum3A_294 = vector.multi_reduction <add>, %add3A_279, %reduce_sum3A_293 [1] : vector<2000x128xf32> to vector<2000xf32>
    %broadcast_in_dim3A_295 = vector.shape_cast %reduce_sum3A_294 : vector<2000xf32> to vector<2000x1xf32>
    %div3A_296 = arith.constant 1.280000e+02 : f32
    %div3A_297 = vector.broadcast %div3A_296 : f32 to vector<2000x1xf32>
    %div3A_298 = arith.divf %broadcast_in_dim3A_295, %div3A_297 : vector<2000x1xf32>
    %sub3A_299 = vector.broadcast %div3A_298 : vector<2000x1xf32> to vector<2000x128xf32>
    %sub3A_300 = arith.subf %add3A_279, %sub3A_299 : vector<2000x128xf32>
    %square3A_301 = arith.mulf %sub3A_300, %sub3A_300 : vector<2000x128xf32>
    %convert_element_type3A_302 = arith.sitofp %jit3A_292 : i32 to f32
    %sub3A_303 = arith.constant 1.280000e+02 : f32
    %sub3A_304 = arith.subf %sub3A_303, %convert_element_type3A_302 : f32
    %reduce_sum3A_305 = arith.constant dense<0.000000e+00> : vector<2000xf32>
    %reduce_sum3A_306 = vector.multi_reduction <add>, %square3A_301, %reduce_sum3A_305 [1] : vector<2000x128xf32> to vector<2000xf32>
    %broadcast_in_dim3A_307 = vector.shape_cast %reduce_sum3A_306 : vector<2000xf32> to vector<2000x1xf32>
    %div3A_308 = vector.broadcast %sub3A_304 : f32 to vector<2000x1xf32>
    %div3A_309 = arith.divf %broadcast_in_dim3A_307, %div3A_308 : vector<2000x1xf32>
    %gt3A_310 = arith.constant 0.000000e+00 : f32
    %gt3A_311 = arith.cmpf ogt, %sub3A_304, %gt3A_310 : f32
    %jit3A_312 = arith.constant 0x7FC00000 : f32
    %broadcast_in_dim3A_313 = vector.broadcast %jit3A_312 : f32 to vector<2000x1xf32>
    %select_n3A_314 = arith.select %gt3A_311, %div3A_309, %broadcast_in_dim3A_313 : vector<2000x1xf32>
    %sub3A_315 = vector.broadcast %div3A_291 : vector<2000x1xf32> to vector<2000x128xf32>
    %sub3A_316 = arith.subf %add3A_279, %sub3A_315 : vector<2000x128xf32>
    %add3A_317 = arith.constant 9.99999974E-6 : f32
    %add3A_318 = vector.broadcast %add3A_317 : f32 to vector<2000x1xf32>
    %add3A_319 = arith.addf %select_n3A_314, %add3A_318 : vector<2000x1xf32>
    %sqrt3A_320 = math.sqrt %add3A_319 : vector<2000x1xf32>
    %div3A_321 = vector.broadcast %sqrt3A_320 : vector<2000x1xf32> to vector<2000x128xf32>
    %div3A_322 = arith.divf %sub3A_316, %div3A_321 : vector<2000x128xf32>
    %mul3A_323 = vector.broadcast %get3A_282 : vector<1x128xf32> to vector<2000x128xf32>
    %mul3A_324 = arith.mulf %div3A_322, %mul3A_323 : vector<2000x128xf32>
    %add3A_325 = vector.broadcast %get3A_285 : vector<1x128xf32> to vector<2000x128xf32>
    %add3A_326 = arith.addf %mul3A_324, %add3A_325 : vector<2000x128xf32>
    %add3A_327 = arith.addf %add3A_278, %max3A_130 : vector<2000x128xf32>
    %get3A_328 = arith.constant 0 : index
    %get3A_329 = arith.constant 0 : index
    %get3A_330 = vector.load %arg15[%get3A_328, %get3A_329] : memref<1x128xf32, #tpu.memory_space<vmem>>, vector<1x128xf32>
    %get3A_331 = arith.constant 0 : index
    %get3A_332 = arith.constant 0 : index
    %get3A_333 = vector.load %arg16[%get3A_331, %get3A_332] : memref<1x128xf32, #tpu.memory_space<vmem>>, vector<1x128xf32>
    %reduce_sum3A_334 = arith.constant dense<0.000000e+00> : vector<2000xf32>
    %reduce_sum3A_335 = vector.multi_reduction <add>, %add3A_327, %reduce_sum3A_334 [1] : vector<2000x128xf32> to vector<2000xf32>
    %broadcast_in_dim3A_336 = vector.shape_cast %reduce_sum3A_335 : vector<2000xf32> to vector<2000x1xf32>
    %div3A_337 = arith.constant 1.280000e+02 : f32
    %div3A_338 = vector.broadcast %div3A_337 : f32 to vector<2000x1xf32>
    %div3A_339 = arith.divf %broadcast_in_dim3A_336, %div3A_338 : vector<2000x1xf32>
    %jit3A_340 = arith.constant 0 : i32
    %reduce_sum3A_341 = arith.constant dense<0.000000e+00> : vector<2000xf32>
    %reduce_sum3A_342 = vector.multi_reduction <add>, %add3A_327, %reduce_sum3A_341 [1] : vector<2000x128xf32> to vector<2000xf32>
    %broadcast_in_dim3A_343 = vector.shape_cast %reduce_sum3A_342 : vector<2000xf32> to vector<2000x1xf32>
    %div3A_344 = arith.constant 1.280000e+02 : f32
    %div3A_345 = vector.broadcast %div3A_344 : f32 to vector<2000x1xf32>
    %div3A_346 = arith.divf %broadcast_in_dim3A_343, %div3A_345 : vector<2000x1xf32>
    %sub3A_347 = vector.broadcast %div3A_346 : vector<2000x1xf32> to vector<2000x128xf32>
    %sub3A_348 = arith.subf %add3A_327, %sub3A_347 : vector<2000x128xf32>
    %square3A_349 = arith.mulf %sub3A_348, %sub3A_348 : vector<2000x128xf32>
    %convert_element_type3A_350 = arith.sitofp %jit3A_340 : i32 to f32
    %sub3A_351 = arith.constant 1.280000e+02 : f32
    %sub3A_352 = arith.subf %sub3A_351, %convert_element_type3A_350 : f32
    %reduce_sum3A_353 = arith.constant dense<0.000000e+00> : vector<2000xf32>
    %reduce_sum3A_354 = vector.multi_reduction <add>, %square3A_349, %reduce_sum3A_353 [1] : vector<2000x128xf32> to vector<2000xf32>
    %broadcast_in_dim3A_355 = vector.shape_cast %reduce_sum3A_354 : vector<2000xf32> to vector<2000x1xf32>
    %div3A_356 = vector.broadcast %sub3A_352 : f32 to vector<2000x1xf32>
    %div3A_357 = arith.divf %broadcast_in_dim3A_355, %div3A_356 : vector<2000x1xf32>
    %gt3A_358 = arith.constant 0.000000e+00 : f32
    %gt3A_359 = arith.cmpf ogt, %sub3A_352, %gt3A_358 : f32
    %jit3A_360 = arith.constant 0x7FC00000 : f32
    %broadcast_in_dim3A_361 = vector.broadcast %jit3A_360 : f32 to vector<2000x1xf32>
    %select_n3A_362 = arith.select %gt3A_359, %div3A_357, %broadcast_in_dim3A_361 : vector<2000x1xf32>
    %sub3A_363 = vector.broadcast %div3A_339 : vector<2000x1xf32> to vector<2000x128xf32>
    %sub3A_364 = arith.subf %add3A_327, %sub3A_363 : vector<2000x128xf32>
    %add3A_365 = arith.constant 9.99999974E-6 : f32
    %add3A_366 = vector.broadcast %add3A_365 : f32 to vector<2000x1xf32>
    %add3A_367 = arith.addf %select_n3A_362, %add3A_366 : vector<2000x1xf32>
    %sqrt3A_368 = math.sqrt %add3A_367 : vector<2000x1xf32>
    %div3A_369 = vector.broadcast %sqrt3A_368 : vector<2000x1xf32> to vector<2000x128xf32>
    %div3A_370 = arith.divf %sub3A_364, %div3A_369 : vector<2000x128xf32>
    %mul3A_371 = vector.broadcast %get3A_330 : vector<1x128xf32> to vector<2000x128xf32>
    %mul3A_372 = arith.mulf %div3A_370, %mul3A_371 : vector<2000x128xf32>
    %add3A_373 = vector.broadcast %get3A_333 : vector<1x128xf32> to vector<2000x128xf32>
    %add3A_374 = arith.addf %mul3A_372, %add3A_373 : vector<2000x128xf32>
    %add3A_375 = arith.addf %add3A_326, %add3A_374 : vector<2000x128xf32>
    %mul3A_376 = arith.constant 5.000000e-01 : f32
    %mul3A_377 = vector.broadcast %mul3A_376 : f32 to vector<2000x128xf32>
    %mul3A_378 = arith.mulf %add3A_375, %mul3A_377 : vector<2000x128xf32>
    %swap3A = arith.constant 0 : index
    %swap3A_379 = arith.constant 0 : index
    %swap3A_380 = vector.load %arg17[%swap3A, %swap3A_379] : memref<2000x128xf32, #tpu.memory_space<vmem>>, vector<2000x128xf32>
    tpu.vector_store %arg17[%swap3A, %swap3A_379], %mul3A_378 {strides = array<i32>} : memref<2000x128xf32, #tpu.memory_space<vmem>>, vector<2000x128xf32>,
    return
  }
  func.func @transform_0(%arg0: i32) -> (i32, i32) {
    %c0_i32 = arith.constant 0 : i32
    %c0_i32_0 = arith.constant 0 : i32
    return %arg0, %c0_i32 : i32, i32
  }
  func.func @transform_1(%arg0: i32) -> (i32, i32) {
    %c0_i32 = arith.constant 0 : i32
    %c0_i32_0 = arith.constant 0 : i32
    return %arg0, %c0_i32 : i32, i32
  }
  func.func @transform_2(%arg0: i32) -> (i32, i32) {
    %c0_i32 = arith.constant 0 : i32
    %c0_i32_0 = arith.constant 0 : i32
    %c0_i32_1 = arith.constant 0 : i32
    return %c0_i32, %c0_i32_0 : i32, i32
  }
  func.func @transform_3(%arg0: i32) -> (i32, i32) {
    %c0_i32 = arith.constant 0 : i32
    %c0_i32_0 = arith.constant 0 : i32
    %c0_i32_1 = arith.constant 0 : i32
    return %c0_i32, %c0_i32_0 : i32, i32
  }
  func.func @transform_4(%arg0: i32) -> (i32, i32) {
    %c0_i32 = arith.constant 0 : i32
    %c0_i32_0 = arith.constant 0 : i32
    %c0_i32_1 = arith.constant 0 : i32
    return %c0_i32, %c0_i32_0 : i32, i32
  }
  func.func @transform_5(%arg0: i32) -> (i32, i32) {
    %c0_i32 = arith.constant 0 : i32
    %c0_i32_0 = arith.constant 0 : i32
    %c0_i32_1 = arith.constant 0 : i32
    return %c0_i32, %c0_i32_0 : i32, i32
  }
  func.func @transform_6(%arg0: i32) -> (i32, i32) {
    %c0_i32 = arith.constant 0 : i32
    %c0_i32_0 = arith.constant 0 : i32
    %c0_i32_1 = arith.constant 0 : i32
    return %c0_i32, %c0_i32_0 : i32, i32
  }
  func.func @transform_7(%arg0: i32) -> (i32, i32) {
    %c0_i32 = arith.constant 0 : i32
    %c0_i32_0 = arith.constant 0 : i32
    %c0_i32_1 = arith.constant 0 : i32
    return %c0_i32, %c0_i32_0 : i32, i32
  }
  func.func @transform_8(%arg0: i32) -> (i32, i32) {
    %c0_i32 = arith.constant 0 : i32
    %c0_i32_0 = arith.constant 0 : i32
    %c0_i32_1 = arith.constant 0 : i32
    return %c0_i32, %c0_i32_0 : i32, i32
  }
  func.func @transform_9(%arg0: i32) -> (i32, i32) {
    %c0_i32 = arith.constant 0 : i32
    %c0_i32_0 = arith.constant 0 : i32
    %c0_i32_1 = arith.constant 0 : i32
    return %c0_i32, %c0_i32_0 : i32, i32
  }
  func.func @transform_10(%arg0: i32) -> (i32, i32) {
    %c0_i32 = arith.constant 0 : i32
    %c0_i32_0 = arith.constant 0 : i32
    %c0_i32_1 = arith.constant 0 : i32
    return %c0_i32, %c0_i32_0 : i32, i32
  }
  func.func @transform_11(%arg0: i32) -> (i32, i32) {
    %c0_i32 = arith.constant 0 : i32
    %c0_i32_0 = arith.constant 0 : i32
    %c0_i32_1 = arith.constant 0 : i32
    return %c0_i32, %c0_i32_0 : i32, i32
  }
  func.func @transform_12(%arg0: i32) -> (i32, i32) {
    %c0_i32 = arith.constant 0 : i32
    %c0_i32_0 = arith.constant 0 : i32
    %c0_i32_1 = arith.constant 0 : i32
    return %c0_i32, %c0_i32_0 : i32, i32
  }
  func.func @transform_13(%arg0: i32) -> (i32, i32) {
    %c0_i32 = arith.constant 0 : i32
    %c0_i32_0 = arith.constant 0 : i32
    %c0_i32_1 = arith.constant 0 : i32
    return %c0_i32, %c0_i32_0 : i32, i32
  }
  func.func @transform_14(%arg0: i32) -> (i32, i32) {
    %c0_i32 = arith.constant 0 : i32
    %c0_i32_0 = arith.constant 0 : i32
    %c0_i32_1 = arith.constant 0 : i32
    return %c0_i32, %c0_i32_0 : i32, i32
  }
  func.func @transform_15(%arg0: i32) -> (i32, i32) {
    %c0_i32 = arith.constant 0 : i32
    %c0_i32_0 = arith.constant 0 : i32
    %c0_i32_1 = arith.constant 0 : i32
    return %c0_i32, %c0_i32_0 : i32, i32
  }
  func.func @transform_16(%arg0: i32) -> (i32, i32) {
    %c0_i32 = arith.constant 0 : i32
    %c0_i32_0 = arith.constant 0 : i32
    return %arg0, %c0_i32 : i32, i32
  }
}

</mosaic_0001>

<sc_bundles>
// kernel: kernel.10.cloned.1.call-start
scs
__scs_entry_jumppad:
0x0: {  	(pc) =	sbr.rel $0x88, $3  }
0x1: {  	(tag) =	ssettag $0x0;
	lr =	simm.s32 $0x1  }
0x2: {  	[smem:$0x3F8F] =	sst lr;
	_ =	strace $0xD0000000  }
0x3: {  	_ = 	snop  }
0x4: {  	_ = 	snop  }
0x5: {  	_ = 	snop  }
0x6: {  	_ = 	snop  }
0x7: {  	_ = 	snop  }
__scs_overlays_trampoline_lowered:
0x8: {  	[smem:$0x3F9E] =	sst s0  }
0x9: {  	[smem:$0x3F9F] =	sst s1  }
0xa: {  	[smem:$0x3FA0] =	sst s2  }
0xb: {  	[smem:$0x3FA1] =	sst s3  }
0xc: {  	[smem:$0x3FA2] =	sst s4  }
0xd: {  	[smem:$0x3FA3] =	sst s5  }
0xe: {  	[smem:$0x3FA4] =	sst s6  }
0xf: {  	[smem:$0x3FA5] =	sst s7  }
0x10: {  	[smem:$0x3FA6] =	sst s8  }
0x11: {  	[smem:$0x3FA7] =	sst s9;
	s0 =	simm.s32 @!p0 $0x0  }
0x12: {  	s1 =	sld [smem:$0x3F8D];
	s0 =	simm.s32 @p0 $0x1  }
0x13: {  	[smem:$0x3FA8] =	sst s0;
	s0 =	simm.s32 @!p1 $0x0  }
0x14: {  	s2 =	sld [smem:$0x3F8C];
	s0 =	simm.s32 @p1 $0x1  }
0x15: {  	[smem:$0x3FA9] =	sst s0;
	s0 =	simm.s32 @!p2 $0x0  }
0x16: {  	s3 =	sld [smem:$0x3FDB];
	s0 =	simm.s32 @p2 $0x1  }
0x17: {  	s4 =	simm.s32 $0x1BF5;
	[smem:$0x3FAB] =	sst s0  }
0x18: {  	s0 =	sld [smem:$0x3F8E];
	_ =	swait.ge [sflag:s4], $0x0  }
0x19: {  	s7 =	sld [smem:$0x3F8F]  }
0x1a: {  	s8 =	sadd.s32 $0xFFFFE003, lr  }
0x1b: {  	s9 =	sadd.s32 $0xFFFFFEF7, lr;
	s5 =	simm.s32 $0xFFFFFFFF;
	p2 =	slt.u32 s8, $0xFFFFF086  }
0x1c: {  	p1 =	slt.u32 s9, $0xF7A;
	s5 =	simm.s32 @!p2 $0x0  }
0x1d: {  	s5 =	simm.s32 @p1 $0x1;
	p0 =	seq.s32 s7, s2  }
0x1e: {  	s7 =	smul.u32 @!p0 $0xF7A, s2;
	p2 =	seq.s32 @!p0 s5, $0x0  }
0x1f: {  	s9 =	smul.u32 $0xF7A, s1;
	s8 =	simm.s32 @!p0 $0x1BF5;
	p2 =	por !p2, p0  }
0x20: {  	[sflag:s8] =	ssyncset.s32 @!p0 $0xFFFFF086;
	s6 =	sadd.s32 @!p0 s3, s7;
	s7 =	simm.s32 @!p0 $0x108  }
0x21: {  	s3 =	sadd.s32 s3, s9;
	s6 =	sadd.s32 @!p0 $0x88, s6;
	s7 =	simm.s32 @p2 $0x1082  }
0x22: {  	[simem:s7], [sflag:s8] =	dma.local @!p0 [hbm:s6], $0xF7A  }
0x23: {  	s9 =	sor.u32 $0xD0000000, s2;
	s6 =	simm.s32 $0x108;
	_ =	swait.ge @!p0 [sflag:s8], $0x0  }
0x24: {  	s3 =	sadd.s32 $0x88, s3;
	s6 =	simm.s32 @!p1 $0x1082;
	[sflag:s4] =	ssyncset.s32 $0xFFFFF086  }
0x25: {  	[simem:s6], [sflag:s4] =	dma.local [hbm:s3], $0xF7A  }
0x26: {  	[smem:$0x3F8F] =	sst s1;
	(tag) =	ssettag s2;
	_ =	strace s9  }
0x27: {  	s1 =	sld [smem:$0x3F9F]  }
0x28: {  	s2 =	sld [smem:$0x3FA0]  }
0x29: {  	s4 =	sld [smem:$0x3FA2]  }
0x2a: {  	p0 =	seq.s32 s5, $0x0;
	s5 =	sld [smem:$0x3FA3]  }
0x2b: {  	s6 =	sld [smem:$0x3FA4]  }
0x2c: {  	s7 =	sld [smem:$0x3FA5]  }
0x2d: {  	s3 =	simm.s32 $0x108;
	s8 =	sld [smem:$0x3FA6]  }
0x2e: {  	s3 =	simm.s32 @!p0 $0x1082;
	s9 =	sld [smem:$0x3FA7]  }
0x2f: {  	lr =	sadd.s32 s0, s3;
	s0 =	sld [smem:$0x3F9E]  }
0x30: {  	s3 =	sld [smem:$0x3FA1]  }
0x31: {  	[smem:$0x3FAA] =	sst s10  }
0x32: {  	s10 =	sld [smem:$0x3FA8];
	_ =	sdelay $0x3  }
0x33: {  	p0 =	seq.s32 s10, $0x1;
	s10 =	sld [smem:$0x3FAA];
	_ =	sdelay $0x3  }
0x34: {  	[smem:$0x3FAA] =	sst s10  }
0x35: {  	s10 =	sld [smem:$0x3FA9];
	_ =	sdelay $0x3  }
0x36: {  	p1 =	seq.s32 s10, $0x1;
	s10 =	sld [smem:$0x3FAA];
	_ =	sdelay $0x3  }
0x37: {  	[smem:$0x3FAA] =	sst s10  }
0x38: {  	s10 =	sld [smem:$0x3FAB]  }
0x39: {  	_ = 	snop;
	(pc) =	sbr.ind lr, $3  }
0x3a: {  	_ = 	snop  }
0x3b: {  	_ = 	snop  }
0x3c: {  	p2 =	seq.s32 s10, $0x1;
	s10 =	sld [smem:$0x3FAA]  }
0x3d: {  	_ =	shalt  }
0x3e: {  	_ =	shalt  }
0x3f: {  	_ =	shalt  }
0x40: {  	_ =	shalt  }
0x41: {  	_ =	shalt  }
0x42: {  	_ =	shalt  }
0x43: {  	_ =	shalt  }
0x44: {  	_ =	shalt  }
0x45: {  	_ =	shalt  }
0x46: {  	_ =	shalt  }
0x47: {  	_ =	shalt  }
0x48: {  	_ =	shalt  }
0x49: {  	_ =	shalt  }
0x4a: {  	_ =	shalt  }
0x4b: {  	_ =	shalt  }
0x4c: {  	_ =	shalt  }
0x4d: {  	_ =	shalt  }
0x4e: {  	_ =	shalt  }
0x4f: {  	_ =	shalt  }
0x50: {  	_ =	shalt  }
0x51: {  	_ =	shalt  }
0x52: {  	_ =	shalt  }
0x53: {  	_ =	shalt  }
0x54: {  	_ =	shalt  }
0x55: {  	_ =	shalt  }
0x56: {  	_ =	shalt  }
0x57: {  	_ =	shalt  }
0x58: {  	_ =	shalt  }
0x59: {  	_ =	shalt  }
0x5a: {  	_ =	shalt  }
0x5b: {  	_ =	shalt  }
0x5c: {  	_ =	shalt  }
0x5d: {  	_ =	shalt  }
0x5e: {  	_ =	shalt  }
0x5f: {  	_ =	shalt  }
0x60: {  	_ =	shalt  }
0x61: {  	_ =	shalt  }
0x62: {  	_ =	shalt  }
0x63: {  	_ =	shalt  }
0x64: {  	_ =	shalt  }
0x65: {  	_ =	shalt  }
0x66: {  	_ =	shalt  }
0x67: {  	_ =	shalt  }
0x68: {  	_ =	shalt  }
0x69: {  	_ =	shalt  }
0x6a: {  	_ =	shalt  }
0x6b: {  	_ =	shalt  }
0x6c: {  	_ =	shalt  }
0x6d: {  	_ =	shalt  }
0x6e: {  	_ =	shalt  }
0x6f: {  	_ =	shalt  }
0x70: {  	_ =	shalt  }
0x71: {  	_ =	shalt  }
0x72: {  	_ =	shalt  }
0x73: {  	_ =	shalt  }
0x74: {  	_ =	shalt  }
0x75: {  	_ =	shalt  }
0x76: {  	_ =	shalt  }
0x77: {  	_ =	shalt  }
0x78: {  	_ =	shalt  }
0x79: {  	_ =	shalt  }
0x7a: {  	_ =	shalt  }
0x7b: {  	_ =	shalt  }
0x7c: {  	_ =	shalt  }
0x7d: {  	_ =	shalt  }
0x7e: {  	_ =	shalt  }
0x7f: {  	_ =	shalt  }
0x80: {  	_ =	shalt  }
0x81: {  	_ =	shalt  }
0x82: {  	_ =	shalt  }
0x83: {  	_ =	shalt  }
0x84: {  	_ =	shalt  }
0x85: {  	_ =	shalt  }
0x86: {  	_ =	shalt  }
0x87: {  	_ =	shalt  }
.Lfunc_end0:
.L_simem_size_0:
called_computation.1_lowered:
.L_overlay_start_0:
0x88: {  	s2 =	sld [smem:$0x3FD9]  }
0x89: {  	s3 =	sld [smem:$0x3FFE];
	_ =	sdelay $0x1  }
0x8a: {  	s1 =	srdreg.scid  }
0x8b: {  	s0 =	sand.u32 $0x1, s1  }
0x8c: {  	s14 =	sshll.u32 s0, $0xA;
	s2 =	sadd.s32 s3, s2  }
0x8d: {  	s2 =	sadd.s32 s2, s14  }
0x8e: {  	[smem:$0x3FB6] =	sst s2  }
0x8f: {  	_ = 	snop  }
0x90: {  	s2 =	sld [smem:$0x3FD0];
	_ =	sdelay $0x2  }
0x91: {  	s15 =	simm.s32 $0xB;
	s4 =	simm.s32 $0x10  }
0x92: {  	[smem:s4], [sflag:s15] =	dma.local [hbm:s2], $0x1  }
0x93: {  	_ =	swait.eq [sflag:s15], $0x1  }
0x94: {  	[sflag:s15] =	ssyncset.done $0x0  }
0x95: {  	[sflag:s15] =	ssyncadd.s32 $0xFFFFFFFF  }
0x96: {  	s16 =	sld [smem:$0x10];
	(tm) =	ssettm $0x1  }
0x97: {  	s17 =	sld [smem:$0x3FFB];
	_ =	sdelay $0x3  }
0x98: {  	_ =	strace s17  }
0x99: {  	s3 =	sld [smem:$0x3FFC];
	_ =	sdelay $0x3  }
0x9a: {  	_ =	strace s3  }
0x9b: {  	s3 =	sld [smem:$0x3FFD];
	_ =	sdelay $0x3  }
0x9c: {  	_ =	strace s3  }
0x9d: {  	_ =	strace $0x8FFFFFFF  }
0x9e: {  	s18 =	sld [smem:$0x3FDB];
	_ =	sdelay $0x1  }
0x9f: {  	s19 =	simm.s32 $_scs_section_size  }
0xa0: {  	s5 =	simm.s32 $_size__tile_overlayer_lowered;
	s6 =	simm.s32 $_tile_overlayer_lowered  }
0xa1: {  	s22 =	simm.s32 $0x1BFF;
	s21 =	sshll.u32 s6, $0x1;
	s3 =	sadd.s32 s19, s18  }
0xa2: {  	s7 =	simm.s32 $0x0;
	s20 =	sshll.u32 s5, $0x1;
	s5 =	sadd.s32 s21, s3  }
0xa3: {  	[timem:s7], [sflag:s22] =	dma.local [hbm:s5], s20  }
0xa4: {  	_ =	swait.ge [sflag:s22], s20  }
0xa5: {  	s4 =	ssub.s32 $0x0, s20;
	[sflag:s22] =	ssyncset.done $0x0  }
0xa6: {  	[sflag:s22] =	ssyncadd.s32 s4;
	_ =	sdelay $0x1  }
0xa7: {  	s23 =	simm.s32 $0x1B8B  }
0xa8: {  	_ =	swait.ge [sflag:s23], $0x1  }
0xa9: {  	[sflag:s23] =	ssyncset.done $0x0  }
0xaa: {  	s25 =	simm.s32 $0x1B8E;
	s24 =	sld [smem:$0x3FFE];
	[sflag:s23] =	ssyncadd.s32 $0xFFFFFFFF  }
0xab: {  	s26 =	simm.s32 $execute0_lowered;
	[smem:$0x3FD2] =	sst s25  }
0xac: {  	s5 =	sshll.u32 s26, $0x1;
	_ =	strace $0x80000046;
	[dreg:$0x1] =	wrdreg $0xFFFFFFFF  }
0xad: {  	s28 =	simm.s32 $_size_execute0_lowered;
	s3 =	sadd.s32 s3, s5;
	[dreg:$0x0] =	wrdreg $0x0  }
0xae: {  	s5 =	sshll.u32 s28, $0x1;
	[dreg:$0x2] =	wrdreg s3  }
0xaf: {  	[dreg:$0x3] =	wrdreg s5  }
0xb0: {  	[dreg:$0x4] =	wrdreg $0xC0  }
0xb1: {  	_ =	task [dreg:s7], $0x5FFFF  }
0xb2: {  	[dreg:$0x1] =	wrdreg $0xFFFFFFFF  }
0xb3: {  	[dreg:$0x0] =	wrdreg $0x60  }
0xb4: {  	[dreg:$0x2] =	wrdreg s16  }
0xb5: {  	[dreg:$0x3] =	wrdreg s24  }
0xb6: {  	[dreg:$0x4] =	wrdreg $0x42000  }
0xb7: {  	[dreg:$0x5] =	wrdreg $0xA  }
0xb8: {  	_ =	task.clear_ibuf [dreg:s7], $0x6FFFF;
	_ =	strace $0x90000046  }
0xb9: {  	s29 =	simm.s32 $0xA;
	_ =	strace $0x80000048  }
0xba: {  	_ =	swait.ge [sflag:s29], $0x1  }
0xbb: {  	[sflag:s29] =	ssyncadd.s32 $0xFFFFFFFF  }
0xbc: {  	_ =	strace $0x90000048  }
0xbd: {  	_ =	sfence  }
0xbe: {  	s30 =	sld [smem:$0x0];
	_ =	sdelay $0x2  }
0xbf: {  	s31 =	sshll.u32 s1, $0xD;
	s1 =	sshrl.u32 s1, $0x2  }
0xc0: {  	s3 =	sand.u32 $0x4000, s31;
	s1 =	sadd.s32 s1, s30  }
0xc1: {  	s0 =	sor.u32 s3, s0;
	s1 =	sshll.u32 s1, $0x11  }
0xc2: {  	s0 =	sor.u32 s1, s0  }
0xc3: {  	s0 =	sadd.s32 $0x8F2B, s0  }
0xc4: {  	[sflag:s0] =	ssyncadd.remote.s32 $0x1  }
0xc5: {  	_ =	sfence.sel $0xFFFF  }
0xc6: {  	[dreg:$0x0] =	wrdreg $0xFFFFFFFF;
	(pc) =	sbr.abs _section_cstart, $3  }
0xc7: {  	[dreg:$0x1] =	wrdreg $0xFFFFFFFF  }
0xc8: {  	_ =	task.clear_ibuf [dreg:s7], $0x2FFFF;
	_ =	strace $0x9FFFFFFF  }
0xc9: {  	(tm) =	ssettm $0x7FFFFFFF  }
tec
execute0_lowered:
.L_overlay_start_1:
0x0: {  	(tag) =	ssettag $0x1  }
0x1: {  	s2 =	rddreg [dreg:$0x0]  }
0x2: {  	s7 =	rddreg [dreg:$0x1]  }
0x3: {  	s3 =	rddreg [dreg:$0x2]  }
0x4: {  	s0 =	rddreg [dreg:$0x3];
	s1 =	stileid.u32  }
0x5: {  	s4 =	simm.s32 $0x0;
	s6 =	srdreg.scid;
	s16 =	simm.s32 $0x100  }
0x6: {  	s17 =	simm.s32 $0x200;
	s19 =	simm.s32 $0x180;
	s5 =	smul.u32 $0x13A0, s1  }
0x7: {  	s20 =	simm.s32 $0x0;
	[smem:$0x7FF] =	sst s4;
	s8 =	smul.u32 $0x2700, s1  }
0x8: {  	s6 =	sand.u32 $0x1, s6;
	s9 =	smul.u32 $0x4E000, s1;
	s10 =	sadd.s32 $0x3D800, s7  }
0x9: {  	s13 =	smul.u32 $0x270, s1;
	s30 =	sshll.u32 s1, $0x6;
	s15 =	sadd.s32 $0x138000, s3  }
0xa: {  	p0 =	sne.s32 s1, $0xF;
	_ =	strace $0x80000047;
	s18 =	smul.u32 $0x2710, s6  }
0xb: {  	s26 =	ssub.s32 $0x2, s6;
	s29 =	smul.u32 $0x138800, s6;
	s6 =	sor.u32 $0x1C02, s30  }
0xc: {  	s11 =	sadd.s32 s5, s7;
	s25 =	sadd.s32 s8, s7;
	s12 =	sshrl.u32 s26, $0x1  }
0xd: {  	s28 =	sshrl.u32 s9, $0x2;
	s7 =	sadd.s32 $0x3D600, s7;
	s12 =	ssub.s32 s26, s12  }
0xe: {  	s14 =	sadd.s32 s28, s3;
	s5 =	sadd.s32 $0x16600, s25;
	s31 =	sadd.s32 s13, s18  }
0xf: {  	s9 =	sshrl.u32 s29, $0x3;
	s11 =	sadd.s32 $0x2C00, s11;
	s13 =	simm.s32 $0x2  }
0x10: {  	v0 =	vmov s18;
	s18 =	simm.s32 $0x1;
	s8 =	sshll.u32 s31, $0x4;
	s9 =	sadd.s32 s10, s9  }
0x11: {  	s8 =	sadd.s32 s10, s8;
	s9 =	sadd.s32 $0x27000, s9;
	s10 =	smax.u32 s12, $0x1  }
0x12: {  	s12 =	sshrl.u32 s14, $0x3;
	s14 =	sshrl.u32 @!p0 s15, $0x3;
	s15 =	simm.s32 $0x80  }
.LBB2_1:
0x13: {  	[spmem:s12], [sflag:s6] =	dma.local [hbm:s5], $0x2700  }
0x14: {  	_ =	swait.ge [sflag:s13], $0x2700  }
0x15: {  	[sflag:s13] =	ssyncset.done $0x0  }
0x16: {  	s21 =	simm.s32 @!p0 $0x2;
	[sflag:s13] =	ssyncadd.s32 $0xFFFFD900  }
0x17: {  	[spmem:s14], [sflag:s6] =	dma.local @!p0 [hbm:s7], $0x100  }
0x18: {  	_ =	swait.ge @!p0 [sflag:s21], $0x100  }
0x19: {  	[sflag:s21] =	ssyncset.done @!p0 $0x0  }
0x1a: {  	[sflag:s21] =	ssyncadd.s32 @!p0 $0xFFFFFF00  }
0x1b: {  	s31 =	sadd.s32 $0x0, s11;
	[bflag:$0x0] =	sbarrier.arrive $0xFFFF  }
0x1c: {  	[tilespmem:s4], [sflag:$0x2] =	stream.linear.gather [hbm4b:s31+s4], $0x100, $0x38;
	[tilespmem:$0x17E80] =	vst v63  }
0x1d: {  	_ =	swait.ge [sflag:s13], $0x100  }
0x1e: {  	[sflag:s13] =	ssyncset.done $0x0  }
0x1f: {  	[sflag:s13] =	ssyncadd.s32 $0xFFFFFF00  }
0x20: {  	v1 =	vld [tilespmem:$0xF0]  }
0x21: {  	v2 =	vld [tilespmem:$0x80]  }
0x22: {  	v3 =	vld [tilespmem:$0x90]  }
0x23: {  	v4 =	vld [tilespmem:$0x70]  }
0x24: {  	v5 =	vld [tilespmem:$0x30]  }
0x25: {  	v6 =	vld [tilespmem:$0x50]  }
0x26: {  	v7 =	vld [tilespmem:$0x60];
	[tilespmem:$0x1F0] =	vst v1  }
0x27: {  	v8 =	vld [tilespmem:$0x20];
	[tilespmem:$0x180] =	vst v2  }
0x28: {  	v9 =	vld [tilespmem:$0x10];
	[tilespmem:$0x190] =	vst v3;
	v2 =	vadd.s32 v0, v4  }
0x29: {  	v3 =	vadd.s32 v0, v5;
	v1 =	vld [tilespmem:$0x40];
	[tilespmem:$0x170] =	vst v2  }
0x2a: {  	v4 =	vadd.s32 v0, v6;
	v2 =	vld [tilespmem:$0x0];
	[tilespmem:$0x130] =	vst v3  }
0x2b: {  	v5 =	vadd.s32 v0, v7;
	v3 =	vld [tilespmem:$0xC0];
	[tilespmem:$0x150] =	vst v4  }
0x2c: {  	v7 =	vadd.s32 v0, v8;
	v4 =	vld [tilespmem:$0xD0];
	[tilespmem:$0x160] =	vst v5  }
0x2d: {  	s21 =	simm.s32 $0x20;
	v6 =	vadd.s32 v0, v9;
	[tilespmem:$0x120] =	vst v7;
	v5 =	vld [tilespmem:$0xA0]  }
.LBB2_2:
0x2e: {  	p1 =	sne.s32 s21, $0x1380;
	[tilespmem:$0x110] =	vst v6;
	v6 =	vld [tilespmem:$0xB0];
	s22 =	smov.u32 s21;
	s21 =	sadd.s32 $0x20, s21  }
0x2f: {  	v2 =	vadd.s32 v0, v2;
	v7 =	vld [tilespmem:$0xE0]  }
0x30: {  	[tilespmem:$0x1C0] =	vst v3  }
0x31: {  	[tilespmem:$0x1D0] =	vst v4  }
0x32: {  	v1 =	vadd.s32 v0, v1;
	[tilespmem:$0x1A0] =	vst v5  }
0x33: {  	[tilespmem:$0x1B0] =	vst v6  }
0x34: {  	[tilespmem:$0x1E0] =	vst v7  }
0x35: {  	[tilespmem:$0x140] =	vst v1  }
0x36: {  	[tilespmem:$0x100] =	vst v2  }
0x37: {  	[tilespmem:s17], [sflag:$0x1] =	stream.indirect.gather [hbm4b:s2+s15], $0x80, s16, s15, $0xb8;
	[tilespmem:$0x17E80] =	vst v63  }
0x38: {  	_ =	swait.ge [sflag:s18], $0x4000  }
0x39: {  	[sflag:s18] =	ssyncset.done $0x0  }
0x3a: {  	[sflag:s18] =	ssyncadd.s32 $0xFFFFC000  }
0x3b: {  	[spmem:s3] =	stream.indirect.scatter.add.f32 [tilespmem:s17], [sflag:$0x2], $0x80, s19, s15, $0xb8;
	[tilespmem:$0x17E80] =	vst v63  }
0x3c: {  	_ =	swait.ge [sflag:s13], $0x4000  }
0x3d: {  	[sflag:s13] =	ssyncset.done $0x0  }
0x3e: {  	s22 =	sadd.s32 s22, s11;
	[sflag:s13] =	ssyncadd.s32 $0xFFFFC000  }
0x3f: {  	[tilespmem:s4], [sflag:$0x2] =	stream.linear.gather [hbm4b:s22+s4], $0x100, $0x38;
	[tilespmem:$0x17E80] =	vst v63  }
0x40: {  	_ =	swait.ge [sflag:s13], $0x100  }
0x41: {  	[sflag:s13] =	ssyncset.done $0x0  }
0x42: {  	[sflag:s13] =	ssyncadd.s32 $0xFFFFFF00  }
0x43: {  	v1 =	vld [tilespmem:$0xF0]  }
0x44: {  	v2 =	vld [tilespmem:$0x80]  }
0x45: {  	v3 =	vld [tilespmem:$0x90]  }
0x46: {  	v4 =	vld [tilespmem:$0x70]  }
0x47: {  	v5 =	vld [tilespmem:$0x30]  }
0x48: {  	v6 =	vld [tilespmem:$0x50];
	[tilespmem:$0x1F0] =	vst v1  }
0x49: {  	[tilespmem:$0x180] =	vst v2;
	v7 =	vld [tilespmem:$0x60]  }
0x4a: {  	[tilespmem:$0x190] =	vst v3;
	v8 =	vld [tilespmem:$0x20]  }
0x4b: {  	v9 =	vld [tilespmem:$0x10];
	v2 =	vadd.s32 v0, v4  }
.Ltmp0:
0x4c: {  	v3 =	vadd.s32 v0, v5;
	v1 =	vld [tilespmem:$0x40];
	[tilespmem:$0x170] =	vst v2;
	(pc) =	sbr.rel @p1 .LBB2_2-.Ltmp0, $4  }
0x4d: {  	v2 =	vld [tilespmem:$0x0];
	[tilespmem:$0x130] =	vst v3;
	v4 =	vadd.s32 v0, v6  }
0x4e: {  	v3 =	vld [tilespmem:$0xC0];
	[tilespmem:$0x150] =	vst v4;
	v5 =	vadd.s32 v0, v7  }
0x4f: {  	v7 =	vadd.s32 v0, v8;
	v4 =	vld [tilespmem:$0xD0];
	[tilespmem:$0x160] =	vst v5  }
0x50: {  	v6 =	vadd.s32 v0, v9;
	[tilespmem:$0x120] =	vst v7;
	v5 =	vld [tilespmem:$0xA0]  }
0x51: {  	[tilespmem:$0x110] =	vst v6;
	v1 =	vadd.s32 v0, v1  }
0x52: {  	v7 =	vld [tilespmem:$0xB0];
	[tilespmem:$0x140] =	vst v1  }
0x53: {  	v63 =	vld [tilespmem:$0xE0];
	v2 =	vadd.s32 v0, v2;
	[tilespmem:$0x1C0] =	vst v3  }
0x54: {  	[tilespmem:$0x100] =	vst v2  }
0x55: {  	[tilespmem:$0x1D0] =	vst v4  }
0x56: {  	[tilespmem:$0x1A0] =	vst v5  }
0x57: {  	[tilespmem:$0x1B0] =	vst v7  }
0x58: {  	[tilespmem:$0x1E0] =	vst v63  }
0x59: {  	[tilespmem:s17], [sflag:$0x1] =	stream.indirect.gather [hbm4b:s2+s15], $0x80, s16, s15, $0xb8;
	[tilespmem:$0x17E80] =	vst v63  }
0x5a: {  	_ =	swait.ge [sflag:s18], $0x4000  }
0x5b: {  	[sflag:s18] =	ssyncset.done $0x0  }
0x5c: {  	[sflag:s18] =	ssyncadd.s32 $0xFFFFC000  }
0x5d: {  	[spmem:s3] =	stream.indirect.scatter.add.f32 [tilespmem:s17], [sflag:$0x2], $0x80, s19, s15, $0xb8;
	[tilespmem:$0x17E80] =	vst v63  }
0x5e: {  	_ =	swait.ge [sflag:s13], $0x4000  }
0x5f: {  	[sflag:s13] =	ssyncset.done $0x0  }
0x60: {  	[sflag:s13] =	ssyncadd.s32 $0xFFFFC000  }
0x61: {  	[bflag:$0x0] =	sbarrier.arrive $0xFFFF  }
0x62: {  	[hbm:s8], [sflag:s6] =	dma.local [spmem:s12], $0x2700  }
0x63: {  	s20 =	sadd.s32 $0x1, s20;
	_ =	swait.ge [sflag:s13], $0x2700  }
0x64: {  	p1 =	sne.s32 s20, s10;
	[sflag:s13] =	ssyncset.done $0x0  }
.Ltmp1:
0x65: {  	s21 =	simm.s32 @!p0 $0x2;
	[sflag:s13] =	ssyncadd.s32 $0xFFFFD900;
	(pc) =	sbr.rel @p1 .LBB2_1-.Ltmp1, $4  }
0x66: {  	[hbm:s9], [sflag:s6] =	dma.local @!p0 [spmem:s14], $0x100  }
0x67: {  	_ =	swait.ge @!p0 [sflag:s21], $0x100  }
0x68: {  	[sflag:s21] =	ssyncset.done @!p0 $0x0  }
0x69: {  	[sflag:s21] =	ssyncadd.s32 @!p0 $0xFFFFFF00  }
0x6a: {  	_ =	sfence.sel $0x180000  }
0x6b: {  	[bflag:$0x0] =	sbarrier.arrive $0xFFFF  }
0x6c: {  	p0 =	sne.s32 s1, $0x0;
	_ =	strace $0x90000047  }
0x6d: {  	s0 =	sadd.s32 @!p0 $0x100000, s0;
	[bflag:$0x2] =	sbarrier.arrive $0xFFFF  }
0x6e: {  	[sflag:s0] =	ssyncadd.tile.s32 @!p0 $0x1;
	_ =	shalt  }
.Lfunc_end2:
_tile_overlayer_lowered:
.L_overlay_start_2:
0x6f: {  	(tag) =	ssettag $0x2  }
0x70: {  	s0 =	rddreg [dreg:$0x0];
	s2 =	stileid.u32  }
0x71: {  	s1 =	rddreg [dreg:$0x1];
	p0 =	sne.s32 s2, $0x0  }
0x72: {  	s3 =	rddreg [dreg:$0x2];
	[bflag:$0x3] =	sbarrier.arrive $0xFFFF;
	s2 =	simm.s32 @!p0 $0x1C02  }
0x73: {  	[timem:s3], [sflag:s2] =	dma.local @!p0 [hbm:s0], s1  }
0x74: {  	s0 =	simm.s32 @!p0 $0x2  }
0x75: {  	_ =	swait.ge @!p0 [sflag:s0], s1  }
0x76: {  	s1 =	ssub.s32 @!p0 $0x0, s1;
	[sflag:s0] =	ssyncset.done @!p0 $0x0  }
0x77: {  	[sflag:s0] =	ssyncadd.s32 @!p0 s1  }
0x78: {  	[bflag:$0x3] =	sbarrier.arrive $0xFFFF  }
0x79: {  	_ =	shalt  }

// kernel: kernel.13.cloned.1.call-start
scs
__scs_entry_jumppad:
0x0: {  	(pc) =	sbr.rel $0x88, $3  }
0x1: {  	(tag) =	ssettag $0x0;
	lr =	simm.s32 $0x1  }
0x2: {  	[smem:$0x3F8F] =	sst lr;
	_ =	strace $0xD0000000  }
0x3: {  	_ = 	snop  }
0x4: {  	_ = 	snop  }
0x5: {  	_ = 	snop  }
0x6: {  	_ = 	snop  }
0x7: {  	_ = 	snop  }
__scs_overlays_trampoline_lowered:
0x8: {  	[smem:$0x3F9E] =	sst s0  }
0x9: {  	[smem:$0x3F9F] =	sst s1  }
0xa: {  	[smem:$0x3FA0] =	sst s2  }
0xb: {  	[smem:$0x3FA1] =	sst s3  }
0xc: {  	[smem:$0x3FA2] =	sst s4  }
0xd: {  	[smem:$0x3FA3] =	sst s5  }
0xe: {  	[smem:$0x3FA4] =	sst s6  }
0xf: {  	[smem:$0x3FA5] =	sst s7  }
0x10: {  	[smem:$0x3FA6] =	sst s8  }
0x11: {  	[smem:$0x3FA7] =	sst s9;
	s0 =	simm.s32 @!p0 $0x0  }
0x12: {  	s1 =	sld [smem:$0x3F8D];
	s0 =	simm.s32 @p0 $0x1  }
0x13: {  	[smem:$0x3FA8] =	sst s0;
	s0 =	simm.s32 @!p1 $0x0  }
0x14: {  	s2 =	sld [smem:$0x3F8C];
	s0 =	simm.s32 @p1 $0x1  }
0x15: {  	[smem:$0x3FA9] =	sst s0;
	s0 =	simm.s32 @!p2 $0x0  }
0x16: {  	s3 =	sld [smem:$0x3FDB];
	s0 =	simm.s32 @p2 $0x1  }
0x17: {  	s4 =	simm.s32 $0x1BF5;
	[smem:$0x3FAB] =	sst s0  }
0x18: {  	s0 =	sld [smem:$0x3F8E];
	_ =	swait.ge [sflag:s4], $0x0  }
0x19: {  	s7 =	sld [smem:$0x3F8F]  }
0x1a: {  	s8 =	sadd.s32 $0xFFFFE003, lr  }
0x1b: {  	s9 =	sadd.s32 $0xFFFFFEF7, lr;
	s5 =	simm.s32 $0xFFFFFFFF;
	p2 =	slt.u32 s8, $0xFFFFF086  }
0x1c: {  	p1 =	slt.u32 s9, $0xF7A;
	s5 =	simm.s32 @!p2 $0x0  }
0x1d: {  	s5 =	simm.s32 @p1 $0x1;
	p0 =	seq.s32 s7, s2  }
0x1e: {  	s7 =	smul.u32 @!p0 $0xF7A, s2;
	p2 =	seq.s32 @!p0 s5, $0x0  }
0x1f: {  	s9 =	smul.u32 $0xF7A, s1;
	s8 =	simm.s32 @!p0 $0x1BF5;
	p2 =	por !p2, p0  }
0x20: {  	[sflag:s8] =	ssyncset.s32 @!p0 $0xFFFFF086;
	s6 =	sadd.s32 @!p0 s3, s7;
	s7 =	simm.s32 @!p0 $0x108  }
0x21: {  	s3 =	sadd.s32 s3, s9;
	s6 =	sadd.s32 @!p0 $0x88, s6;
	s7 =	simm.s32 @p2 $0x1082  }
0x22: {  	[simem:s7], [sflag:s8] =	dma.local @!p0 [hbm:s6], $0xF7A  }
0x23: {  	s9 =	sor.u32 $0xD0000000, s2;
	s6 =	simm.s32 $0x108;
	_ =	swait.ge @!p0 [sflag:s8], $0x0  }
0x24: {  	s3 =	sadd.s32 $0x88, s3;
	s6 =	simm.s32 @!p1 $0x1082;
	[sflag:s4] =	ssyncset.s32 $0xFFFFF086  }
0x25: {  	[simem:s6], [sflag:s4] =	dma.local [hbm:s3], $0xF7A  }
0x26: {  	[smem:$0x3F8F] =	sst s1;
	(tag) =	ssettag s2;
	_ =	strace s9  }
0x27: {  	s1 =	sld [smem:$0x3F9F]  }
0x28: {  	s2 =	sld [smem:$0x3FA0]  }
0x29: {  	s4 =	sld [smem:$0x3FA2]  }
0x2a: {  	p0 =	seq.s32 s5, $0x0;
	s5 =	sld [smem:$0x3FA3]  }
0x2b: {  	s6 =	sld [smem:$0x3FA4]  }
0x2c: {  	s7 =	sld [smem:$0x3FA5]  }
0x2d: {  	s3 =	simm.s32 $0x108;
	s8 =	sld [smem:$0x3FA6]  }
0x2e: {  	s3 =	simm.s32 @!p0 $0x1082;
	s9 =	sld [smem:$0x3FA7]  }
0x2f: {  	lr =	sadd.s32 s0, s3;
	s0 =	sld [smem:$0x3F9E]  }
0x30: {  	s3 =	sld [smem:$0x3FA1]  }
0x31: {  	[smem:$0x3FAA] =	sst s10  }
0x32: {  	s10 =	sld [smem:$0x3FA8];
	_ =	sdelay $0x3  }
0x33: {  	p0 =	seq.s32 s10, $0x1;
	s10 =	sld [smem:$0x3FAA];
	_ =	sdelay $0x3  }
0x34: {  	[smem:$0x3FAA] =	sst s10  }
0x35: {  	s10 =	sld [smem:$0x3FA9];
	_ =	sdelay $0x3  }
0x36: {  	p1 =	seq.s32 s10, $0x1;
	s10 =	sld [smem:$0x3FAA];
	_ =	sdelay $0x3  }
0x37: {  	[smem:$0x3FAA] =	sst s10  }
0x38: {  	s10 =	sld [smem:$0x3FAB]  }
0x39: {  	_ = 	snop;
	(pc) =	sbr.ind lr, $3  }
0x3a: {  	_ = 	snop  }
0x3b: {  	_ = 	snop  }
0x3c: {  	p2 =	seq.s32 s10, $0x1;
	s10 =	sld [smem:$0x3FAA]  }
0x3d: {  	_ =	shalt  }
0x3e: {  	_ =	shalt  }
0x3f: {  	_ =	shalt  }
0x40: {  	_ =	shalt  }
0x41: {  	_ =	shalt  }
0x42: {  	_ =	shalt  }
0x43: {  	_ =	shalt  }
0x44: {  	_ =	shalt  }
0x45: {  	_ =	shalt  }
0x46: {  	_ =	shalt  }
0x47: {  	_ =	shalt  }
0x48: {  	_ =	shalt  }
0x49: {  	_ =	shalt  }
0x4a: {  	_ =	shalt  }
0x4b: {  	_ =	shalt  }
0x4c: {  	_ =	shalt  }
0x4d: {  	_ =	shalt  }
0x4e: {  	_ =	shalt  }
0x4f: {  	_ =	shalt  }
0x50: {  	_ =	shalt  }
0x51: {  	_ =	shalt  }
0x52: {  	_ =	shalt  }
0x53: {  	_ =	shalt  }
0x54: {  	_ =	shalt  }
0x55: {  	_ =	shalt  }
0x56: {  	_ =	shalt  }
0x57: {  	_ =	shalt  }
0x58: {  	_ =	shalt  }
0x59: {  	_ =	shalt  }
0x5a: {  	_ =	shalt  }
0x5b: {  	_ =	shalt  }
0x5c: {  	_ =	shalt  }
0x5d: {  	_ =	shalt  }
0x5e: {  	_ =	shalt  }
0x5f: {  	_ =	shalt  }
0x60: {  	_ =	shalt  }
0x61: {  	_ =	shalt  }
0x62: {  	_ =	shalt  }
0x63: {  	_ =	shalt  }
0x64: {  	_ =	shalt  }
0x65: {  	_ =	shalt  }
0x66: {  	_ =	shalt  }
0x67: {  	_ =	shalt  }
0x68: {  	_ =	shalt  }
0x69: {  	_ =	shalt  }
0x6a: {  	_ =	shalt  }
0x6b: {  	_ =	shalt  }
0x6c: {  	_ =	shalt  }
0x6d: {  	_ =	shalt  }
0x6e: {  	_ =	shalt  }
0x6f: {  	_ =	shalt  }
0x70: {  	_ =	shalt  }
0x71: {  	_ =	shalt  }
0x72: {  	_ =	shalt  }
0x73: {  	_ =	shalt  }
0x74: {  	_ =	shalt  }
0x75: {  	_ =	shalt  }
0x76: {  	_ =	shalt  }
0x77: {  	_ =	shalt  }
0x78: {  	_ =	shalt  }
0x79: {  	_ =	shalt  }
0x7a: {  	_ =	shalt  }
0x7b: {  	_ =	shalt  }
0x7c: {  	_ =	shalt  }
0x7d: {  	_ =	shalt  }
0x7e: {  	_ =	shalt  }
0x7f: {  	_ =	shalt  }
0x80: {  	_ =	shalt  }
0x81: {  	_ =	shalt  }
0x82: {  	_ =	shalt  }
0x83: {  	_ =	shalt  }
0x84: {  	_ =	shalt  }
0x85: {  	_ =	shalt  }
0x86: {  	_ =	shalt  }
0x87: {  	_ =	shalt  }
.Lfunc_end0:
.L_simem_size_0:
called_computation.2_lowered:
.L_overlay_start_0:
0x88: {  	s2 =	sld [smem:$0x3FD9]  }
0x89: {  	s3 =	sld [smem:$0x3FFE];
	_ =	sdelay $0x1  }
0x8a: {  	s1 =	srdreg.scid  }
0x8b: {  	s0 =	sand.u32 $0x1, s1  }
0x8c: {  	s15 =	sshll.u32 s0, $0xA;
	s2 =	sadd.s32 s3, s2  }
0x8d: {  	s2 =	sadd.s32 s2, s15  }
0x8e: {  	[smem:$0x3FB6] =	sst s2  }
0x8f: {  	_ = 	snop  }
0x90: {  	s2 =	sld [smem:$0x3FD0];
	_ =	sdelay $0x2  }
0x91: {  	s16 =	simm.s32 $0xB;
	s4 =	simm.s32 $0x10  }
0x92: {  	[smem:s4], [sflag:s16] =	dma.local [hbm:s2], $0x1  }
0x93: {  	_ =	swait.eq [sflag:s16], $0x1  }
0x94: {  	[sflag:s16] =	ssyncset.done $0x0  }
0x95: {  	[sflag:s16] =	ssyncadd.s32 $0xFFFFFFFF  }
0x96: {  	s17 =	sld [smem:$0x10];
	(tm) =	ssettm $0x1  }
0x97: {  	s18 =	sld [smem:$0x3FFB];
	_ =	sdelay $0x3  }
0x98: {  	_ =	strace s18  }
0x99: {  	s2 =	sld [smem:$0x3FFC];
	_ =	sdelay $0x3  }
0x9a: {  	_ =	strace s2  }
0x9b: {  	s2 =	sld [smem:$0x3FFD];
	_ =	sdelay $0x3  }
0x9c: {  	_ =	strace s2  }
0x9d: {  	_ =	strace $0x8FFFFFFF  }
0x9e: {  	s19 =	sld [smem:$0x3FDB];
	_ =	sdelay $0x1  }
0x9f: {  	s20 =	simm.s32 $_scs_section_size  }
0xa0: {  	s5 =	simm.s32 $_size__tile_overlayer_lowered;
	s6 =	simm.s32 $_tile_overlayer_lowered  }
0xa1: {  	s7 =	simm.s32 $0x1BFF;
	s21 =	sshll.u32 s6, $0x1;
	s4 =	sadd.s32 s20, s19  }
0xa2: {  	s22 =	simm.s32 $0x0;
	s5 =	sshll.u32 s5, $0x1;
	s6 =	sadd.s32 s21, s4  }
0xa3: {  	[timem:s22], [sflag:s7] =	dma.local [hbm:s6], s5  }
0xa4: {  	_ =	swait.ge [sflag:s7], s5  }
0xa5: {  	s5 =	ssub.s32 $0x0, s5;
	[sflag:s7] =	ssyncset.done $0x0  }
0xa6: {  	[sflag:s7] =	ssyncadd.s32 s5;
	_ =	sdelay $0x1  }
0xa7: {  	s23 =	simm.s32 $0x1B8B  }
0xa8: {  	_ =	swait.ge [sflag:s23], $0x1  }
0xa9: {  	[sflag:s23] =	ssyncset.done $0x0  }
0xaa: {  	[sflag:s23] =	ssyncadd.s32 $0xFFFFFFFF  }
0xab: {  	s5 =	sld [smem:$0x0]  }
0xac: {  	s6 =	sand.u32 $0xFFFFFFFE, s1  }
0xad: {  	p0 =	sne.s32 s1, s6  }
0xae: {  	s6 =	sshll.u32 @p0 s6, $0xE  }
0xaf: {  	s6 =	sadd.s32 @p0 $0x11B8D, s6;
	s7 =	sshll.u32 @p0 s5, $0x11  }
0xb0: {  	s6 =	sor.u32 @p0 s7, s6  }
0xb1: {  	[sflag:s6] =	ssyncadd.remote.s32 @p0 $0x1;
	_ =	sdelay $0x1  }
0xb2: {  	s6 =	simm.s32 @p0 $0x1B8D  }
0xb3: {  	_ =	swait.eq @p0 [sflag:s6], $0x1  }
0xb4: {  	[sflag:s6] =	ssyncadd.s32 @p0 $0xFFFFFFFF  }
0xb5: {  	s7 =	sshll.u32 @!p0 s1, $0xE  }
0xb6: {  	s7 =	sor.u32 @!p0 $0x4000, s7;
	s6 =	simm.s32 @!p0 $0x1B8D  }
0xb7: {  	s5 =	sshll.u32 @!p0 s5, $0x11;
	s7 =	sadd.s32 @!p0 $0x11B8D, s7;
	_ =	swait.eq @!p0 [sflag:s6], $0x1  }
0xb8: {  	s5 =	sor.u32 @!p0 s5, s7;
	[sflag:s6] =	ssyncadd.s32 @!p0 $0xFFFFFFFF  }
0xb9: {  	s25 =	simm.s32 $0x1B8E;
	s24 =	sld [smem:$0x3FFE];
	[sflag:s5] =	ssyncadd.remote.s32 @!p0 $0x1  }
0xba: {  	s26 =	simm.s32 $execute0_lowered;
	[smem:$0x3FD2] =	sst s25  }
0xbb: {  	s6 =	sshll.u32 s26, $0x1;
	_ =	strace $0x8000004C;
	[dreg:$0x1] =	wrdreg $0xFFFFFFFF  }
0xbc: {  	s28 =	simm.s32 $_size_execute0_lowered;
	s4 =	sadd.s32 s4, s6;
	[dreg:$0x0] =	wrdreg $0x0  }
0xbd: {  	s6 =	sshll.u32 s28, $0x1;
	[dreg:$0x2] =	wrdreg s4  }
0xbe: {  	[dreg:$0x3] =	wrdreg s6  }
0xbf: {  	[dreg:$0x4] =	wrdreg $0xC0  }
0xc0: {  	_ =	task [dreg:s22], $0x5FFFF  }
0xc1: {  	[dreg:$0x1] =	wrdreg $0xFFFFFFFF  }
0xc2: {  	[dreg:$0x0] =	wrdreg $0x60  }
0xc3: {  	[dreg:$0x2] =	wrdreg s17  }
0xc4: {  	[dreg:$0x3] =	wrdreg s24  }
0xc5: {  	[dreg:$0x4] =	wrdreg $0x42000  }
0xc6: {  	[dreg:$0x5] =	wrdreg $0xA  }
0xc7: {  	_ =	task.clear_ibuf [dreg:s22], $0x6FFFF;
	_ =	strace $0x9000004C  }
0xc8: {  	s29 =	simm.s32 $0xA;
	_ =	strace $0x8000004E  }
0xc9: {  	_ =	swait.ge [sflag:s29], $0x1  }
0xca: {  	[sflag:s29] =	ssyncadd.s32 $0xFFFFFFFF  }
0xcb: {  	_ =	strace $0x9000004E  }
0xcc: {  	_ =	sfence  }
0xcd: {  	s30 =	sld [smem:$0x0];
	_ =	sdelay $0x2  }
0xce: {  	s31 =	sshll.u32 s1, $0xD;
	s1 =	sshrl.u32 s1, $0x2  }
0xcf: {  	s4 =	sand.u32 $0x4000, s31;
	s1 =	sadd.s32 s1, s30  }
0xd0: {  	s0 =	sor.u32 s4, s0;
	s1 =	sshll.u32 s1, $0x11  }
0xd1: {  	s0 =	sor.u32 s1, s0  }
0xd2: {  	s0 =	sadd.s32 $0x8F2B, s0  }
0xd3: {  	[sflag:s0] =	ssyncadd.remote.s32 $0x1  }
0xd4: {  	_ =	sfence.sel $0xFFFF  }
0xd5: {  	[dreg:$0x0] =	wrdreg $0xFFFFFFFF;
	(pc) =	sbr.abs _section_cstart, $3  }
0xd6: {  	[dreg:$0x1] =	wrdreg $0xFFFFFFFF  }
0xd7: {  	_ =	task.clear_ibuf [dreg:s22], $0x2FFFF;
	_ =	strace $0x9FFFFFFF  }
0xd8: {  	(tm) =	ssettm $0x7FFFFFFF  }
0xd9: {  	_ =	shalt  }
tec
execute0_lowered:
.L_overlay_start_1:
0x0: {  	(tag) =	ssettag $0x1  }
0x1: {  	s2 =	rddreg [dreg:$0x0]  }
0x2: {  	s7 =	rddreg [dreg:$0x1]  }
0x3: {  	s3 =	rddreg [dreg:$0x2]  }
0x4: {  	s0 =	rddreg [dreg:$0x3];
	s1 =	stileid.u32  }
0x5: {  	s4 =	simm.s32 $0x0;
	s6 =	srdreg.scid;
	s16 =	simm.s32 $0x100  }
0x6: {  	s17 =	simm.s32 $0x200;
	s19 =	simm.s32 $0x180;
	s5 =	smul.u32 $0x13A0, s1  }
0x7: {  	s20 =	simm.s32 $0x0;
	[smem:$0x7FF] =	sst s4;
	s8 =	smul.u32 $0x2700, s1  }
0x8: {  	s6 =	sand.u32 $0x1, s6;
	s9 =	smul.u32 $0x4E000, s1;
	s10 =	sadd.s32 $0x3D800, s7  }
0x9: {  	s13 =	smul.u32 $0x270, s1;
	s30 =	sshll.u32 s1, $0x6;
	s15 =	sadd.s32 $0x138000, s3  }
0xa: {  	p0 =	sne.s32 s1, $0xF;
	_ =	strace $0x8000004D;
	s18 =	smul.u32 $0x2710, s6  }
0xb: {  	s26 =	ssub.s32 $0x2, s6;
	s29 =	smul.u32 $0x138800, s6;
	s6 =	sor.u32 $0x1C02, s30  }
0xc: {  	s11 =	sadd.s32 s5, s7;
	s25 =	sadd.s32 s8, s7;
	s12 =	sshrl.u32 s26, $0x1  }
0xd: {  	s28 =	sshrl.u32 s9, $0x2;
	s7 =	sadd.s32 $0x3D600, s7;
	s12 =	ssub.s32 s26, s12  }
0xe: {  	s14 =	sadd.s32 s28, s3;
	s5 =	sadd.s32 $0x16600, s25;
	s31 =	sadd.s32 s13, s18  }
0xf: {  	s9 =	sshrl.u32 s29, $0x3;
	s11 =	sadd.s32 $0x8BA00, s11;
	s13 =	simm.s32 $0x2  }
0x10: {  	v0 =	vmov s18;
	s18 =	simm.s32 $0x1;
	s8 =	sshll.u32 s31, $0x4;
	s9 =	sadd.s32 s10, s9  }
0x11: {  	s8 =	sadd.s32 s10, s8;
	s9 =	sadd.s32 $0x27000, s9;
	s10 =	smax.u32 s12, $0x1  }
0x12: {  	s12 =	sshrl.u32 s14, $0x3;
	s14 =	sshrl.u32 @!p0 s15, $0x3;
	s15 =	simm.s32 $0x80  }
.LBB2_1:
0x13: {  	[spmem:s12], [sflag:s6] =	dma.local [hbm:s5], $0x2700  }
0x14: {  	_ =	swait.ge [sflag:s13], $0x2700  }
0x15: {  	[sflag:s13] =	ssyncset.done $0x0  }
0x16: {  	s21 =	simm.s32 @!p0 $0x2;
	[sflag:s13] =	ssyncadd.s32 $0xFFFFD900  }
0x17: {  	[spmem:s14], [sflag:s6] =	dma.local @!p0 [hbm:s7], $0x100  }
0x18: {  	_ =	swait.ge @!p0 [sflag:s21], $0x100  }
0x19: {  	[sflag:s21] =	ssyncset.done @!p0 $0x0  }
0x1a: {  	[sflag:s21] =	ssyncadd.s32 @!p0 $0xFFFFFF00  }
0x1b: {  	s31 =	sadd.s32 $0x0, s11;
	[bflag:$0x0] =	sbarrier.arrive $0xFFFF  }
0x1c: {  	[tilespmem:s4], [sflag:$0x2] =	stream.linear.gather [hbm4b:s31+s4], $0x100, $0x38;
	[tilespmem:$0x17E80] =	vst v63  }
0x1d: {  	_ =	swait.ge [sflag:s13], $0x100  }
0x1e: {  	[sflag:s13] =	ssyncset.done $0x0  }
0x1f: {  	[sflag:s13] =	ssyncadd.s32 $0xFFFFFF00  }
0x20: {  	v1 =	vld [tilespmem:$0xF0]  }
0x21: {  	v2 =	vld [tilespmem:$0x80]  }
0x22: {  	v3 =	vld [tilespmem:$0x90]  }
0x23: {  	v4 =	vld [tilespmem:$0x70]  }
0x24: {  	v5 =	vld [tilespmem:$0x30]  }
0x25: {  	v6 =	vld [tilespmem:$0x50]  }
0x26: {  	v7 =	vld [tilespmem:$0x60];
	[tilespmem:$0x1F0] =	vst v1  }
0x27: {  	v8 =	vld [tilespmem:$0x20];
	[tilespmem:$0x180] =	vst v2  }
0x28: {  	v9 =	vld [tilespmem:$0x10];
	[tilespmem:$0x190] =	vst v3;
	v2 =	vadd.s32 v0, v4  }
0x29: {  	v3 =	vadd.s32 v0, v5;
	v1 =	vld [tilespmem:$0x40];
	[tilespmem:$0x170] =	vst v2  }
0x2a: {  	v4 =	vadd.s32 v0, v6;
	v2 =	vld [tilespmem:$0x0];
	[tilespmem:$0x130] =	vst v3  }
0x2b: {  	v5 =	vadd.s32 v0, v7;
	v3 =	vld [tilespmem:$0xC0];
	[tilespmem:$0x150] =	vst v4  }
0x2c: {  	v7 =	vadd.s32 v0, v8;
	v4 =	vld [tilespmem:$0xD0];
	[tilespmem:$0x160] =	vst v5  }
0x2d: {  	s21 =	simm.s32 $0x20;
	v6 =	vadd.s32 v0, v9;
	[tilespmem:$0x120] =	vst v7;
	v5 =	vld [tilespmem:$0xA0]  }
.LBB2_2:
0x2e: {  	p1 =	sne.s32 s21, $0x1380;
	[tilespmem:$0x110] =	vst v6;
	v6 =	vld [tilespmem:$0xB0];
	s22 =	smov.u32 s21;
	s21 =	sadd.s32 $0x20, s21  }
0x2f: {  	v2 =	vadd.s32 v0, v2;
	v7 =	vld [tilespmem:$0xE0]  }
0x30: {  	[tilespmem:$0x1C0] =	vst v3  }
0x31: {  	[tilespmem:$0x1D0] =	vst v4  }
0x32: {  	v1 =	vadd.s32 v0, v1;
	[tilespmem:$0x1A0] =	vst v5  }
0x33: {  	[tilespmem:$0x1B0] =	vst v6  }
0x34: {  	[tilespmem:$0x1E0] =	vst v7  }
0x35: {  	[tilespmem:$0x140] =	vst v1  }
0x36: {  	[tilespmem:$0x100] =	vst v2  }
0x37: {  	[tilespmem:s17], [sflag:$0x1] =	stream.indirect.gather [hbm4b:s2+s15], $0x80, s16, s15, $0xb8;
	[tilespmem:$0x17E80] =	vst v63  }
0x38: {  	_ =	swait.ge [sflag:s18], $0x4000  }
0x39: {  	[sflag:s18] =	ssyncset.done $0x0  }
0x3a: {  	[sflag:s18] =	ssyncadd.s32 $0xFFFFC000  }
0x3b: {  	[spmem:s3] =	stream.indirect.scatter.add.f32 [tilespmem:s17], [sflag:$0x2], $0x80, s19, s15, $0xb8;
	[tilespmem:$0x17E80] =	vst v63  }
0x3c: {  	_ =	swait.ge [sflag:s13], $0x4000  }
0x3d: {  	[sflag:s13] =	ssyncset.done $0x0  }
0x3e: {  	s22 =	sadd.s32 s22, s11;
	[sflag:s13] =	ssyncadd.s32 $0xFFFFC000  }
0x3f: {  	[tilespmem:s4], [sflag:$0x2] =	stream.linear.gather [hbm4b:s22+s4], $0x100, $0x38;
	[tilespmem:$0x17E80] =	vst v63  }
0x40: {  	_ =	swait.ge [sflag:s13], $0x100  }
0x41: {  	[sflag:s13] =	ssyncset.done $0x0  }
0x42: {  	[sflag:s13] =	ssyncadd.s32 $0xFFFFFF00  }
0x43: {  	v1 =	vld [tilespmem:$0xF0]  }
0x44: {  	v2 =	vld [tilespmem:$0x80]  }
0x45: {  	v3 =	vld [tilespmem:$0x90]  }
0x46: {  	v4 =	vld [tilespmem:$0x70]  }
0x47: {  	v5 =	vld [tilespmem:$0x30]  }
0x48: {  	v6 =	vld [tilespmem:$0x50];
	[tilespmem:$0x1F0] =	vst v1  }
0x49: {  	[tilespmem:$0x180] =	vst v2;
	v7 =	vld [tilespmem:$0x60]  }
0x4a: {  	[tilespmem:$0x190] =	vst v3;
	v8 =	vld [tilespmem:$0x20]  }
0x4b: {  	v9 =	vld [tilespmem:$0x10];
	v2 =	vadd.s32 v0, v4  }
.Ltmp0:
0x4c: {  	v3 =	vadd.s32 v0, v5;
	v1 =	vld [tilespmem:$0x40];
	[tilespmem:$0x170] =	vst v2;
	(pc) =	sbr.rel @p1 .LBB2_2-.Ltmp0, $4  }
0x4d: {  	v2 =	vld [tilespmem:$0x0];
	[tilespmem:$0x130] =	vst v3;
	v4 =	vadd.s32 v0, v6  }
0x4e: {  	v3 =	vld [tilespmem:$0xC0];
	[tilespmem:$0x150] =	vst v4;
	v5 =	vadd.s32 v0, v7  }
0x4f: {  	v7 =	vadd.s32 v0, v8;
	v4 =	vld [tilespmem:$0xD0];
	[tilespmem:$0x160] =	vst v5  }
0x50: {  	v6 =	vadd.s32 v0, v9;
	[tilespmem:$0x120] =	vst v7;
	v5 =	vld [tilespmem:$0xA0]  }
0x51: {  	[tilespmem:$0x110] =	vst v6;
	v1 =	vadd.s32 v0, v1  }
0x52: {  	v7 =	vld [tilespmem:$0xB0];
	[tilespmem:$0x140] =	vst v1  }
0x53: {  	v63 =	vld [tilespmem:$0xE0];
	v2 =	vadd.s32 v0, v2;
	[tilespmem:$0x1C0] =	vst v3  }
0x54: {  	[tilespmem:$0x100] =	vst v2  }
0x55: {  	[tilespmem:$0x1D0] =	vst v4  }
0x56: {  	[tilespmem:$0x1A0] =	vst v5  }
0x57: {  	[tilespmem:$0x1B0] =	vst v7  }
0x58: {  	[tilespmem:$0x1E0] =	vst v63  }
0x59: {  	[tilespmem:s17], [sflag:$0x1] =	stream.indirect.gather [hbm4b:s2+s15], $0x80, s16, s15, $0xb8;
	[tilespmem:$0x17E80] =	vst v63  }
0x5a: {  	_ =	swait.ge [sflag:s18], $0x4000  }
0x5b: {  	[sflag:s18] =	ssyncset.done $0x0  }
0x5c: {  	[sflag:s18] =	ssyncadd.s32 $0xFFFFC000  }
0x5d: {  	[spmem:s3] =	stream.indirect.scatter.add.f32 [tilespmem:s17], [sflag:$0x2], $0x80, s19, s15, $0xb8;
	[tilespmem:$0x17E80] =	vst v63  }
0x5e: {  	_ =	swait.ge [sflag:s13], $0x4000  }
0x5f: {  	[sflag:s13] =	ssyncset.done $0x0  }
0x60: {  	[sflag:s13] =	ssyncadd.s32 $0xFFFFC000  }
0x61: {  	[bflag:$0x0] =	sbarrier.arrive $0xFFFF  }
0x62: {  	[hbm:s8], [sflag:s6] =	dma.local [spmem:s12], $0x2700  }
0x63: {  	s20 =	sadd.s32 $0x1, s20;
	_ =	swait.ge [sflag:s13], $0x2700  }
0x64: {  	p1 =	sne.s32 s20, s10;
	[sflag:s13] =	ssyncset.done $0x0  }
.Ltmp1:
0x65: {  	s21 =	simm.s32 @!p0 $0x2;
	[sflag:s13] =	ssyncadd.s32 $0xFFFFD900;
	(pc) =	sbr.rel @p1 .LBB2_1-.Ltmp1, $4  }
0x66: {  	[hbm:s9], [sflag:s6] =	dma.local @!p0 [spmem:s14], $0x100  }
0x67: {  	_ =	swait.ge @!p0 [sflag:s21], $0x100  }
0x68: {  	[sflag:s21] =	ssyncset.done @!p0 $0x0  }
0x69: {  	[sflag:s21] =	ssyncadd.s32 @!p0 $0xFFFFFF00  }
0x6a: {  	_ =	sfence.sel $0x180000  }
0x6b: {  	[bflag:$0x0] =	sbarrier.arrive $0xFFFF  }
0x6c: {  	p0 =	sne.s32 s1, $0x0;
	_ =	strace $0x9000004D  }
0x6d: {  	s0 =	sadd.s32 @!p0 $0x100000, s0;
	[bflag:$0x2] =	sbarrier.arrive $0xFFFF  }
0x6e: {  	[sflag:s0] =	ssyncadd.tile.s32 @!p0 $0x1;
	_ =	shalt  }
.Lfunc_end2:
_tile_overlayer_lowered:
.L_overlay_start_2:
0x6f: {  	(tag) =	ssettag $0x2  }
0x70: {  	s0 =	rddreg [dreg:$0x0];
	s2 =	stileid.u32  }
0x71: {  	s1 =	rddreg [dreg:$0x1];
	p0 =	sne.s32 s2, $0x0  }
0x72: {  	s3 =	rddreg [dreg:$0x2];
	[bflag:$0x3] =	sbarrier.arrive $0xFFFF;
	s2 =	simm.s32 @!p0 $0x1C02  }
0x73: {  	[timem:s3], [sflag:s2] =	dma.local @!p0 [hbm:s0], s1  }
0x74: {  	s0 =	simm.s32 @!p0 $0x2  }
0x75: {  	_ =	swait.ge @!p0 [sflag:s0], s1  }
0x76: {  	s1 =	ssub.s32 @!p0 $0x0, s1;
	[sflag:s0] =	ssyncset.done @!p0 $0x0  }
0x77: {  	[sflag:s0] =	ssyncadd.s32 @!p0 s1  }
0x78: {  	[bflag:$0x3] =	sbarrier.arrive $0xFFFF  }
0x79: {  	_ =	shalt  }

// kernel: kernel.7.cloned.1.call-start
scs
__scs_entry_jumppad:
0x0: {  	(pc) =	sbr.rel $0x88, $3  }
0x1: {  	(tag) =	ssettag $0x0;
	lr =	simm.s32 $0x1  }
0x2: {  	[smem:$0x3F8F] =	sst lr;
	_ =	strace $0xD0000000  }
0x3: {  	_ = 	snop  }
0x4: {  	_ = 	snop  }
0x5: {  	_ = 	snop  }
0x6: {  	_ = 	snop  }
0x7: {  	_ = 	snop  }
__scs_overlays_trampoline_lowered:
0x8: {  	[smem:$0x3F9E] =	sst s0  }
0x9: {  	[smem:$0x3F9F] =	sst s1  }
0xa: {  	[smem:$0x3FA0] =	sst s2  }
0xb: {  	[smem:$0x3FA1] =	sst s3  }
0xc: {  	[smem:$0x3FA2] =	sst s4  }
0xd: {  	[smem:$0x3FA3] =	sst s5  }
0xe: {  	[smem:$0x3FA4] =	sst s6  }
0xf: {  	[smem:$0x3FA5] =	sst s7  }
0x10: {  	[smem:$0x3FA6] =	sst s8  }
0x11: {  	[smem:$0x3FA7] =	sst s9;
	s0 =	simm.s32 @!p0 $0x0  }
0x12: {  	s1 =	sld [smem:$0x3F8D];
	s0 =	simm.s32 @p0 $0x1  }
0x13: {  	[smem:$0x3FA8] =	sst s0;
	s0 =	simm.s32 @!p1 $0x0  }
0x14: {  	s2 =	sld [smem:$0x3F8C];
	s0 =	simm.s32 @p1 $0x1  }
0x15: {  	[smem:$0x3FA9] =	sst s0;
	s0 =	simm.s32 @!p2 $0x0  }
0x16: {  	s3 =	sld [smem:$0x3FDB];
	s0 =	simm.s32 @p2 $0x1  }
0x17: {  	s4 =	simm.s32 $0x1BF5;
	[smem:$0x3FAB] =	sst s0  }
0x18: {  	s0 =	sld [smem:$0x3F8E];
	_ =	swait.ge [sflag:s4], $0x0  }
0x19: {  	s7 =	sld [smem:$0x3F8F]  }
0x1a: {  	s8 =	sadd.s32 $0xFFFFE003, lr  }
0x1b: {  	s9 =	sadd.s32 $0xFFFFFEF7, lr;
	s5 =	simm.s32 $0xFFFFFFFF;
	p2 =	slt.u32 s8, $0xFFFFF086  }
0x1c: {  	p1 =	slt.u32 s9, $0xF7A;
	s5 =	simm.s32 @!p2 $0x0  }
0x1d: {  	s5 =	simm.s32 @p1 $0x1;
	p0 =	seq.s32 s7, s2  }
0x1e: {  	s7 =	smul.u32 @!p0 $0xF7A, s2;
	p2 =	seq.s32 @!p0 s5, $0x0  }
0x1f: {  	s9 =	smul.u32 $0xF7A, s1;
	s8 =	simm.s32 @!p0 $0x1BF5;
	p2 =	por !p2, p0  }
0x20: {  	[sflag:s8] =	ssyncset.s32 @!p0 $0xFFFFF086;
	s6 =	sadd.s32 @!p0 s3, s7;
	s7 =	simm.s32 @!p0 $0x108  }
0x21: {  	s3 =	sadd.s32 s3, s9;
	s6 =	sadd.s32 @!p0 $0x88, s6;
	s7 =	simm.s32 @p2 $0x1082  }
0x22: {  	[simem:s7], [sflag:s8] =	dma.local @!p0 [hbm:s6], $0xF7A  }
0x23: {  	s9 =	sor.u32 $0xD0000000, s2;
	s6 =	simm.s32 $0x108;
	_ =	swait.ge @!p0 [sflag:s8], $0x0  }
0x24: {  	s3 =	sadd.s32 $0x88, s3;
	s6 =	simm.s32 @!p1 $0x1082;
	[sflag:s4] =	ssyncset.s32 $0xFFFFF086  }
0x25: {  	[simem:s6], [sflag:s4] =	dma.local [hbm:s3], $0xF7A  }
0x26: {  	[smem:$0x3F8F] =	sst s1;
	(tag) =	ssettag s2;
	_ =	strace s9  }
0x27: {  	s1 =	sld [smem:$0x3F9F]  }
0x28: {  	s2 =	sld [smem:$0x3FA0]  }
0x29: {  	s4 =	sld [smem:$0x3FA2]  }
0x2a: {  	p0 =	seq.s32 s5, $0x0;
	s5 =	sld [smem:$0x3FA3]  }
0x2b: {  	s6 =	sld [smem:$0x3FA4]  }
0x2c: {  	s7 =	sld [smem:$0x3FA5]  }
0x2d: {  	s3 =	simm.s32 $0x108;
	s8 =	sld [smem:$0x3FA6]  }
0x2e: {  	s3 =	simm.s32 @!p0 $0x1082;
	s9 =	sld [smem:$0x3FA7]  }
0x2f: {  	lr =	sadd.s32 s0, s3;
	s0 =	sld [smem:$0x3F9E]  }
0x30: {  	s3 =	sld [smem:$0x3FA1]  }
0x31: {  	[smem:$0x3FAA] =	sst s10  }
0x32: {  	s10 =	sld [smem:$0x3FA8];
	_ =	sdelay $0x3  }
0x33: {  	p0 =	seq.s32 s10, $0x1;
	s10 =	sld [smem:$0x3FAA];
	_ =	sdelay $0x3  }
0x34: {  	[smem:$0x3FAA] =	sst s10  }
0x35: {  	s10 =	sld [smem:$0x3FA9];
	_ =	sdelay $0x3  }
0x36: {  	p1 =	seq.s32 s10, $0x1;
	s10 =	sld [smem:$0x3FAA];
	_ =	sdelay $0x3  }
0x37: {  	[smem:$0x3FAA] =	sst s10  }
0x38: {  	s10 =	sld [smem:$0x3FAB]  }
0x39: {  	_ = 	snop;
	(pc) =	sbr.ind lr, $3  }
0x3a: {  	_ = 	snop  }
0x3b: {  	_ = 	snop  }
0x3c: {  	p2 =	seq.s32 s10, $0x1;
	s10 =	sld [smem:$0x3FAA]  }
0x3d: {  	_ =	shalt  }
0x3e: {  	_ =	shalt  }
0x3f: {  	_ =	shalt  }
0x40: {  	_ =	shalt  }
0x41: {  	_ =	shalt  }
0x42: {  	_ =	shalt  }
0x43: {  	_ =	shalt  }
0x44: {  	_ =	shalt  }
0x45: {  	_ =	shalt  }
0x46: {  	_ =	shalt  }
0x47: {  	_ =	shalt  }
0x48: {  	_ =	shalt  }
0x49: {  	_ =	shalt  }
0x4a: {  	_ =	shalt  }
0x4b: {  	_ =	shalt  }
0x4c: {  	_ =	shalt  }
0x4d: {  	_ =	shalt  }
0x4e: {  	_ =	shalt  }
0x4f: {  	_ =	shalt  }
0x50: {  	_ =	shalt  }
0x51: {  	_ =	shalt  }
0x52: {  	_ =	shalt  }
0x53: {  	_ =	shalt  }
0x54: {  	_ =	shalt  }
0x55: {  	_ =	shalt  }
0x56: {  	_ =	shalt  }
0x57: {  	_ =	shalt  }
0x58: {  	_ =	shalt  }
0x59: {  	_ =	shalt  }
0x5a: {  	_ =	shalt  }
0x5b: {  	_ =	shalt  }
0x5c: {  	_ =	shalt  }
0x5d: {  	_ =	shalt  }
0x5e: {  	_ =	shalt  }
0x5f: {  	_ =	shalt  }
0x60: {  	_ =	shalt  }
0x61: {  	_ =	shalt  }
0x62: {  	_ =	shalt  }
0x63: {  	_ =	shalt  }
0x64: {  	_ =	shalt  }
0x65: {  	_ =	shalt  }
0x66: {  	_ =	shalt  }
0x67: {  	_ =	shalt  }
0x68: {  	_ =	shalt  }
0x69: {  	_ =	shalt  }
0x6a: {  	_ =	shalt  }
0x6b: {  	_ =	shalt  }
0x6c: {  	_ =	shalt  }
0x6d: {  	_ =	shalt  }
0x6e: {  	_ =	shalt  }
0x6f: {  	_ =	shalt  }
0x70: {  	_ =	shalt  }
0x71: {  	_ =	shalt  }
0x72: {  	_ =	shalt  }
0x73: {  	_ =	shalt  }
0x74: {  	_ =	shalt  }
0x75: {  	_ =	shalt  }
0x76: {  	_ =	shalt  }
0x77: {  	_ =	shalt  }
0x78: {  	_ =	shalt  }
0x79: {  	_ =	shalt  }
0x7a: {  	_ =	shalt  }
0x7b: {  	_ =	shalt  }
0x7c: {  	_ =	shalt  }
0x7d: {  	_ =	shalt  }
0x7e: {  	_ =	shalt  }
0x7f: {  	_ =	shalt  }
0x80: {  	_ =	shalt  }
0x81: {  	_ =	shalt  }
0x82: {  	_ =	shalt  }
0x83: {  	_ =	shalt  }
0x84: {  	_ =	shalt  }
0x85: {  	_ =	shalt  }
0x86: {  	_ =	shalt  }
0x87: {  	_ =	shalt  }
.Lfunc_end0:
.L_simem_size_0:
called_computation_lowered:
.L_overlay_start_0:
0x88: {  	s2 =	sld [smem:$0x3FD9]  }
0x89: {  	s3 =	sld [smem:$0x3FFE];
	_ =	sdelay $0x1  }
0x8a: {  	s1 =	srdreg.scid  }
0x8b: {  	s0 =	sand.u32 $0x1, s1  }
0x8c: {  	s15 =	sshll.u32 s0, $0xA;
	s2 =	sadd.s32 s3, s2  }
0x8d: {  	s2 =	sadd.s32 s2, s15  }
0x8e: {  	[smem:$0x3FB6] =	sst s2  }
0x8f: {  	_ = 	snop  }
0x90: {  	s2 =	sld [smem:$0x3FD0];
	_ =	sdelay $0x2  }
0x91: {  	s16 =	simm.s32 $0xB;
	s4 =	simm.s32 $0x10  }
0x92: {  	[smem:s4], [sflag:s16] =	dma.local [hbm:s2], $0x1  }
0x93: {  	_ =	swait.eq [sflag:s16], $0x1  }
0x94: {  	[sflag:s16] =	ssyncset.done $0x0  }
0x95: {  	[sflag:s16] =	ssyncadd.s32 $0xFFFFFFFF  }
0x96: {  	s17 =	sld [smem:$0x11];
	(tm) =	ssettm $0x1  }
0x97: {  	s18 =	sld [smem:$0x3FFB];
	_ =	sdelay $0x3  }
0x98: {  	_ =	strace s18  }
0x99: {  	s2 =	sld [smem:$0x3FFC];
	_ =	sdelay $0x3  }
0x9a: {  	_ =	strace s2  }
0x9b: {  	s2 =	sld [smem:$0x3FFD];
	_ =	sdelay $0x3  }
0x9c: {  	_ =	strace s2  }
0x9d: {  	_ =	strace $0x8FFFFFFF  }
0x9e: {  	s19 =	sld [smem:$0x3FDB];
	_ =	sdelay $0x1  }
0x9f: {  	s20 =	simm.s32 $_scs_section_size  }
0xa0: {  	s5 =	simm.s32 $_size__tile_overlayer_lowered;
	s6 =	simm.s32 $_tile_overlayer_lowered  }
0xa1: {  	s7 =	simm.s32 $0x1BFF;
	s21 =	sshll.u32 s6, $0x1;
	s4 =	sadd.s32 s20, s19  }
0xa2: {  	s22 =	simm.s32 $0x0;
	s5 =	sshll.u32 s5, $0x1;
	s6 =	sadd.s32 s21, s4  }
0xa3: {  	[timem:s22], [sflag:s7] =	dma.local [hbm:s6], s5  }
0xa4: {  	_ =	swait.ge [sflag:s7], s5  }
0xa5: {  	s5 =	ssub.s32 $0x0, s5;
	[sflag:s7] =	ssyncset.done $0x0  }
0xa6: {  	[sflag:s7] =	ssyncadd.s32 s5;
	_ =	sdelay $0x1  }
0xa7: {  	s23 =	simm.s32 $0x1B8B  }
0xa8: {  	_ =	swait.ge [sflag:s23], $0x1  }
0xa9: {  	[sflag:s23] =	ssyncset.done $0x0  }
0xaa: {  	[sflag:s23] =	ssyncadd.s32 $0xFFFFFFFF  }
0xab: {  	s5 =	sld [smem:$0x0]  }
0xac: {  	s6 =	sand.u32 $0xFFFFFFFE, s1  }
0xad: {  	p0 =	sne.s32 s1, s6  }
0xae: {  	s6 =	sshll.u32 @p0 s6, $0xE  }
0xaf: {  	s6 =	sadd.s32 @p0 $0x11B8D, s6;
	s7 =	sshll.u32 @p0 s5, $0x11  }
0xb0: {  	s6 =	sor.u32 @p0 s7, s6  }
0xb1: {  	[sflag:s6] =	ssyncadd.remote.s32 @p0 $0x1;
	_ =	sdelay $0x1  }
0xb2: {  	s6 =	simm.s32 @p0 $0x1B8D  }
0xb3: {  	_ =	swait.eq @p0 [sflag:s6], $0x1  }
0xb4: {  	[sflag:s6] =	ssyncadd.s32 @p0 $0xFFFFFFFF  }
0xb5: {  	s7 =	sshll.u32 @!p0 s1, $0xE  }
0xb6: {  	s7 =	sor.u32 @!p0 $0x4000, s7;
	s6 =	simm.s32 @!p0 $0x1B8D  }
0xb7: {  	s5 =	sshll.u32 @!p0 s5, $0x11;
	s7 =	sadd.s32 @!p0 $0x11B8D, s7;
	_ =	swait.eq @!p0 [sflag:s6], $0x1  }
0xb8: {  	s5 =	sor.u32 @!p0 s5, s7;
	[sflag:s6] =	ssyncadd.s32 @!p0 $0xFFFFFFFF  }
0xb9: {  	s25 =	simm.s32 $0x1B8E;
	s24 =	sld [smem:$0x3FFE];
	[sflag:s5] =	ssyncadd.remote.s32 @!p0 $0x1  }
0xba: {  	s26 =	simm.s32 $execute0_lowered;
	[smem:$0x3FD2] =	sst s25  }
0xbb: {  	s6 =	sshll.u32 s26, $0x1;
	_ =	strace $0x80000049;
	[dreg:$0x1] =	wrdreg $0xFFFFFFFF  }
0xbc: {  	s28 =	simm.s32 $_size_execute0_lowered;
	s4 =	sadd.s32 s4, s6;
	[dreg:$0x0] =	wrdreg $0x0  }
0xbd: {  	s6 =	sshll.u32 s28, $0x1;
	[dreg:$0x2] =	wrdreg s4  }
0xbe: {  	[dreg:$0x3] =	wrdreg s6  }
0xbf: {  	[dreg:$0x4] =	wrdreg $0xC0  }
0xc0: {  	_ =	task [dreg:s22], $0x5FFFF  }
0xc1: {  	[dreg:$0x1] =	wrdreg $0xFFFFFFFF  }
0xc2: {  	[dreg:$0x0] =	wrdreg $0x60  }
0xc3: {  	[dreg:$0x2] =	wrdreg s17  }
0xc4: {  	[dreg:$0x3] =	wrdreg s24  }
0xc5: {  	[dreg:$0x4] =	wrdreg $0x42000  }
0xc6: {  	[dreg:$0x5] =	wrdreg $0x9  }
0xc7: {  	_ =	task.clear_ibuf [dreg:s22], $0x6FFFF;
	_ =	strace $0x90000049  }
0xc8: {  	s29 =	simm.s32 $0x9;
	_ =	strace $0x8000004B  }
0xc9: {  	_ =	swait.ge [sflag:s29], $0x1  }
0xca: {  	[sflag:s29] =	ssyncadd.s32 $0xFFFFFFFF  }
0xcb: {  	_ =	strace $0x9000004B  }
0xcc: {  	_ =	sfence  }
0xcd: {  	s30 =	sld [smem:$0x0];
	_ =	sdelay $0x2  }
0xce: {  	s31 =	sshll.u32 s1, $0xD;
	s1 =	sshrl.u32 s1, $0x2  }
0xcf: {  	s4 =	sand.u32 $0x4000, s31;
	s1 =	sadd.s32 s1, s30  }
0xd0: {  	s0 =	sor.u32 s4, s0;
	s1 =	sshll.u32 s1, $0x11  }
0xd1: {  	s0 =	sor.u32 s1, s0  }
0xd2: {  	s0 =	sadd.s32 $0x8F2B, s0  }
0xd3: {  	[sflag:s0] =	ssyncadd.remote.s32 $0x1  }
0xd4: {  	_ =	sfence.sel $0xFFFF  }
0xd5: {  	[dreg:$0x0] =	wrdreg $0xFFFFFFFF;
	(pc) =	sbr.abs _section_cstart, $3  }
0xd6: {  	[dreg:$0x1] =	wrdreg $0xFFFFFFFF  }
0xd7: {  	_ =	task.clear_ibuf [dreg:s22], $0x2FFFF;
	_ =	strace $0x9FFFFFFF  }
0xd8: {  	(tm) =	ssettm $0x7FFFFFFF  }
0xd9: {  	_ =	shalt  }
tec
execute0_lowered:
.L_overlay_start_1:
0x0: {  	(tag) =	ssettag $0x1  }
0x1: {  	s2 =	rddreg [dreg:$0x0]  }
0x2: {  	s7 =	rddreg [dreg:$0x1]  }
0x3: {  	s3 =	rddreg [dreg:$0x2]  }
0x4: {  	s0 =	rddreg [dreg:$0x3];
	s1 =	stileid.u32  }
0x5: {  	s4 =	simm.s32 $0x0;
	s6 =	srdreg.scid;
	s16 =	simm.s32 $0x100  }
0x6: {  	s17 =	simm.s32 $0x200;
	s19 =	simm.s32 $0x180;
	s5 =	smul.u32 $0x13A0, s1  }
0x7: {  	s20 =	simm.s32 $0x0;
	[smem:$0x7FF] =	sst s4;
	s8 =	smul.u32 $0x2700, s1  }
0x8: {  	s6 =	sand.u32 $0x1, s6;
	s9 =	smul.u32 $0x4E000, s1;
	s10 =	sadd.s32 $0x9F400, s7  }
0x9: {  	s13 =	smul.u32 $0x270, s1;
	s30 =	sshll.u32 s1, $0x6;
	s15 =	sadd.s32 $0x138000, s3  }
0xa: {  	p0 =	sne.s32 s1, $0xF;
	_ =	strace $0x8000004A;
	s18 =	smul.u32 $0x2710, s6  }
0xb: {  	s26 =	ssub.s32 $0x2, s6;
	s29 =	smul.u32 $0x138800, s6;
	s6 =	sor.u32 $0x1C02, s30  }
0xc: {  	s11 =	sadd.s32 s5, s7;
	s25 =	sadd.s32 s8, s7;
	s12 =	sshrl.u32 s26, $0x1  }
0xd: {  	s28 =	sshrl.u32 s9, $0x2;
	s7 =	sadd.s32 $0x3D600, s7;
	s12 =	ssub.s32 s26, s12  }
0xe: {  	s14 =	sadd.s32 s28, s3;
	s5 =	sadd.s32 $0x16600, s25;
	s31 =	sadd.s32 s13, s18  }
0xf: {  	s9 =	sshrl.u32 s29, $0x3;
	s11 =	sadd.s32 $0x8BA00, s11;
	s13 =	simm.s32 $0x2  }
0x10: {  	v0 =	vmov s18;
	s18 =	simm.s32 $0x1;
	s8 =	sshll.u32 s31, $0x4;
	s9 =	sadd.s32 s10, s9  }
0x11: {  	s8 =	sadd.s32 s10, s8;
	s9 =	sadd.s32 $0x27000, s9;
	s10 =	smax.u32 s12, $0x1  }
0x12: {  	s12 =	sshrl.u32 s14, $0x3;
	s14 =	sshrl.u32 @!p0 s15, $0x3;
	s15 =	simm.s32 $0x80  }
.LBB2_1:
0x13: {  	[spmem:s12], [sflag:s6] =	dma.local [hbm:s5], $0x2700  }
0x14: {  	_ =	swait.ge [sflag:s13], $0x2700  }
0x15: {  	[sflag:s13] =	ssyncset.done $0x0  }
0x16: {  	s21 =	simm.s32 @!p0 $0x2;
	[sflag:s13] =	ssyncadd.s32 $0xFFFFD900  }
0x17: {  	[spmem:s14], [sflag:s6] =	dma.local @!p0 [hbm:s7], $0x100  }
0x18: {  	_ =	swait.ge @!p0 [sflag:s21], $0x100  }
0x19: {  	[sflag:s21] =	ssyncset.done @!p0 $0x0  }
0x1a: {  	[sflag:s21] =	ssyncadd.s32 @!p0 $0xFFFFFF00  }
0x1b: {  	s31 =	sadd.s32 $0x0, s11;
	[bflag:$0x0] =	sbarrier.arrive $0xFFFF  }
0x1c: {  	[tilespmem:s4], [sflag:$0x2] =	stream.linear.gather [hbm4b:s31+s4], $0x100, $0x38;
	[tilespmem:$0x17E80] =	vst v63  }
0x1d: {  	_ =	swait.ge [sflag:s13], $0x100  }
0x1e: {  	[sflag:s13] =	ssyncset.done $0x0  }
0x1f: {  	[sflag:s13] =	ssyncadd.s32 $0xFFFFFF00  }
0x20: {  	v1 =	vld [tilespmem:$0xF0]  }
0x21: {  	v2 =	vld [tilespmem:$0x80]  }
0x22: {  	v3 =	vld [tilespmem:$0x90]  }
0x23: {  	v4 =	vld [tilespmem:$0x70]  }
0x24: {  	v5 =	vld [tilespmem:$0x30]  }
0x25: {  	v6 =	vld [tilespmem:$0x50]  }
0x26: {  	v7 =	vld [tilespmem:$0x60];
	[tilespmem:$0x1F0] =	vst v1  }
0x27: {  	v8 =	vld [tilespmem:$0x20];
	[tilespmem:$0x180] =	vst v2  }
0x28: {  	v9 =	vld [tilespmem:$0x10];
	[tilespmem:$0x190] =	vst v3;
	v2 =	vadd.s32 v0, v4  }
0x29: {  	v3 =	vadd.s32 v0, v5;
	v1 =	vld [tilespmem:$0x40];
	[tilespmem:$0x170] =	vst v2  }
0x2a: {  	v4 =	vadd.s32 v0, v6;
	v2 =	vld [tilespmem:$0x0];
	[tilespmem:$0x130] =	vst v3  }
0x2b: {  	v5 =	vadd.s32 v0, v7;
	v3 =	vld [tilespmem:$0xC0];
	[tilespmem:$0x150] =	vst v4  }
0x2c: {  	v7 =	vadd.s32 v0, v8;
	v4 =	vld [tilespmem:$0xD0];
	[tilespmem:$0x160] =	vst v5  }
0x2d: {  	s21 =	simm.s32 $0x20;
	v6 =	vadd.s32 v0, v9;
	[tilespmem:$0x120] =	vst v7;
	v5 =	vld [tilespmem:$0xA0]  }
.LBB2_2:
0x2e: {  	p1 =	sne.s32 s21, $0x1380;
	[tilespmem:$0x110] =	vst v6;
	v6 =	vld [tilespmem:$0xB0];
	s22 =	smov.u32 s21;
	s21 =	sadd.s32 $0x20, s21  }
0x2f: {  	v2 =	vadd.s32 v0, v2;
	v7 =	vld [tilespmem:$0xE0]  }
0x30: {  	[tilespmem:$0x1C0] =	vst v3  }
0x31: {  	[tilespmem:$0x1D0] =	vst v4  }
0x32: {  	v1 =	vadd.s32 v0, v1;
	[tilespmem:$0x1A0] =	vst v5  }
0x33: {  	[tilespmem:$0x1B0] =	vst v6  }
0x34: {  	[tilespmem:$0x1E0] =	vst v7  }
0x35: {  	[tilespmem:$0x140] =	vst v1  }
0x36: {  	[tilespmem:$0x100] =	vst v2  }
0x37: {  	[tilespmem:s17], [sflag:$0x1] =	stream.indirect.gather [hbm4b:s2+s15], $0x80, s16, s15, $0xb8;
	[tilespmem:$0x17E80] =	vst v63  }
0x38: {  	_ =	swait.ge [sflag:s18], $0x4000  }
0x39: {  	[sflag:s18] =	ssyncset.done $0x0  }
0x3a: {  	[sflag:s18] =	ssyncadd.s32 $0xFFFFC000  }
0x3b: {  	[spmem:s3] =	stream.indirect.scatter.add.f32 [tilespmem:s17], [sflag:$0x2], $0x80, s19, s15, $0xb8;
	[tilespmem:$0x17E80] =	vst v63  }
0x3c: {  	_ =	swait.ge [sflag:s13], $0x4000  }
0x3d: {  	[sflag:s13] =	ssyncset.done $0x0  }
0x3e: {  	s22 =	sadd.s32 s22, s11;
	[sflag:s13] =	ssyncadd.s32 $0xFFFFC000  }
0x3f: {  	[tilespmem:s4], [sflag:$0x2] =	stream.linear.gather [hbm4b:s22+s4], $0x100, $0x38;
	[tilespmem:$0x17E80] =	vst v63  }
0x40: {  	_ =	swait.ge [sflag:s13], $0x100  }
0x41: {  	[sflag:s13] =	ssyncset.done $0x0  }
0x42: {  	[sflag:s13] =	ssyncadd.s32 $0xFFFFFF00  }
0x43: {  	v1 =	vld [tilespmem:$0xF0]  }
0x44: {  	v2 =	vld [tilespmem:$0x80]  }
0x45: {  	v3 =	vld [tilespmem:$0x90]  }
0x46: {  	v4 =	vld [tilespmem:$0x70]  }
0x47: {  	v5 =	vld [tilespmem:$0x30]  }
0x48: {  	v6 =	vld [tilespmem:$0x50];
	[tilespmem:$0x1F0] =	vst v1  }
0x49: {  	[tilespmem:$0x180] =	vst v2;
	v7 =	vld [tilespmem:$0x60]  }
0x4a: {  	[tilespmem:$0x190] =	vst v3;
	v8 =	vld [tilespmem:$0x20]  }
0x4b: {  	v9 =	vld [tilespmem:$0x10];
	v2 =	vadd.s32 v0, v4  }
.Ltmp0:
0x4c: {  	v3 =	vadd.s32 v0, v5;
	v1 =	vld [tilespmem:$0x40];
	[tilespmem:$0x170] =	vst v2;
	(pc) =	sbr.rel @p1 .LBB2_2-.Ltmp0, $4  }
0x4d: {  	v2 =	vld [tilespmem:$0x0];
	[tilespmem:$0x130] =	vst v3;
	v4 =	vadd.s32 v0, v6  }
0x4e: {  	v3 =	vld [tilespmem:$0xC0];
	[tilespmem:$0x150] =	vst v4;
	v5 =	vadd.s32 v0, v7  }
0x4f: {  	v7 =	vadd.s32 v0, v8;
	v4 =	vld [tilespmem:$0xD0];
	[tilespmem:$0x160] =	vst v5  }
0x50: {  	v6 =	vadd.s32 v0, v9;
	[tilespmem:$0x120] =	vst v7;
	v5 =	vld [tilespmem:$0xA0]  }
0x51: {  	[tilespmem:$0x110] =	vst v6;
	v1 =	vadd.s32 v0, v1  }
0x52: {  	v7 =	vld [tilespmem:$0xB0];
	[tilespmem:$0x140] =	vst v1  }
0x53: {  	v63 =	vld [tilespmem:$0xE0];
	v2 =	vadd.s32 v0, v2;
	[tilespmem:$0x1C0] =	vst v3  }
0x54: {  	[tilespmem:$0x100] =	vst v2  }
0x55: {  	[tilespmem:$0x1D0] =	vst v4  }
0x56: {  	[tilespmem:$0x1A0] =	vst v5  }
0x57: {  	[tilespmem:$0x1B0] =	vst v7  }
0x58: {  	[tilespmem:$0x1E0] =	vst v63  }
0x59: {  	[tilespmem:s17], [sflag:$0x1] =	stream.indirect.gather [hbm4b:s2+s15], $0x80, s16, s15, $0xb8;
	[tilespmem:$0x17E80] =	vst v63  }
0x5a: {  	_ =	swait.ge [sflag:s18], $0x4000  }
0x5b: {  	[sflag:s18] =	ssyncset.done $0x0  }
0x5c: {  	[sflag:s18] =	ssyncadd.s32 $0xFFFFC000  }
0x5d: {  	[spmem:s3] =	stream.indirect.scatter.add.f32 [tilespmem:s17], [sflag:$0x2], $0x80, s19, s15, $0xb8;
	[tilespmem:$0x17E80] =	vst v63  }
0x5e: {  	_ =	swait.ge [sflag:s13], $0x4000  }
0x5f: {  	[sflag:s13] =	ssyncset.done $0x0  }
0x60: {  	[sflag:s13] =	ssyncadd.s32 $0xFFFFC000  }
0x61: {  	[bflag:$0x0] =	sbarrier.arrive $0xFFFF  }
0x62: {  	[hbm:s8], [sflag:s6] =	dma.local [spmem:s12], $0x2700  }
0x63: {  	s20 =	sadd.s32 $0x1, s20;
	_ =	swait.ge [sflag:s13], $0x2700  }
0x64: {  	p1 =	sne.s32 s20, s10;
	[sflag:s13] =	ssyncset.done $0x0  }
.Ltmp1:
0x65: {  	s21 =	simm.s32 @!p0 $0x2;
	[sflag:s13] =	ssyncadd.s32 $0xFFFFD900;
	(pc) =	sbr.rel @p1 .LBB2_1-.Ltmp1, $4  }
0x66: {  	[hbm:s9], [sflag:s6] =	dma.local @!p0 [spmem:s14], $0x100  }
0x67: {  	_ =	swait.ge @!p0 [sflag:s21], $0x100  }
0x68: {  	[sflag:s21] =	ssyncset.done @!p0 $0x0  }
0x69: {  	[sflag:s21] =	ssyncadd.s32 @!p0 $0xFFFFFF00  }
0x6a: {  	_ =	sfence.sel $0x180000  }
0x6b: {  	[bflag:$0x0] =	sbarrier.arrive $0xFFFF  }
0x6c: {  	p0 =	sne.s32 s1, $0x0;
	_ =	strace $0x9000004A  }
0x6d: {  	s0 =	sadd.s32 @!p0 $0x100000, s0;
	[bflag:$0x2] =	sbarrier.arrive $0xFFFF  }
0x6e: {  	[sflag:s0] =	ssyncadd.tile.s32 @!p0 $0x1;
	_ =	shalt  }
.Lfunc_end2:
_tile_overlayer_lowered:
.L_overlay_start_2:
0x6f: {  	(tag) =	ssettag $0x2  }
0x70: {  	s0 =	rddreg [dreg:$0x0];
	s2 =	stileid.u32  }
0x71: {  	s1 =	rddreg [dreg:$0x1];
	p0 =	sne.s32 s2, $0x0  }
0x72: {  	s3 =	rddreg [dreg:$0x2];
	[bflag:$0x3] =	sbarrier.arrive $0xFFFF;
	s2 =	simm.s32 @!p0 $0x1C02  }
0x73: {  	[timem:s3], [sflag:s2] =	dma.local @!p0 [hbm:s0], s1  }
0x74: {  	s0 =	simm.s32 @!p0 $0x2  }
0x75: {  	_ =	swait.ge @!p0 [sflag:s0], s1  }
0x76: {  	s1 =	ssub.s32 @!p0 $0x0, s1;
	[sflag:s0] =	ssyncset.done @!p0 $0x0  }
0x77: {  	[sflag:s0] =	ssyncadd.s32 @!p0 s1  }
0x78: {  	[bflag:$0x3] =	sbarrier.arrive $0xFFFF  }
0x79: {  	_ =	shalt  }

</sc_bundles>
